<compile_context>
chip_gen: v7x
topology: tpu7x:2x2x1
jax: 0.10.2.dev20260603
libtpu: 0.0.44.dev20260713+nightly
codegen_flags: <defaults>
</compile_context>

<pallas_src>
import functools

import jax
import jax.numpy as jnp
from jax import lax
from jax.experimental import pallas as pl
from jax.experimental.pallas import tpu as pltpu
from jax.experimental.pallas import tpu_sc as plsc

N_NODES = 10000
N_EDGES = 320000
IN_CH = 128
HID_CH = 128
OUT_CH = 64

NC = 2
NS = 16
NW = NC * NS
CB = 64
CHP = 162
EPT = CB * CHP
E_PAD = NW * EPT
N_PAD = 10240
RPT = N_PAD // NS
DEGW = 128

_MESH = plsc.VectorSubcoreMesh(core_axis_name="c", subcore_axis_name="s")



@functools.partial(
    pl.kernel,
    out_type=jax.ShapeDtypeStruct((NC, N_PAD, DEGW), jnp.float32),
    mesh=_MESH,
    scratch_types=[
        pltpu.VMEM((CHP, 2 * CB), jnp.int32),
        pltpu.VMEM((CB, DEGW), jnp.float32),
        pltpu.VMEM_SHARED((N_PAD, DEGW), jnp.float32),
    ] + [pltpu.SemaphoreType.DMA] * 3,
)
def _deg_kernel(idx_hbm, ones_hbm, zeros_hbm, out_hbm, idxv, onesv, acc,
                s0, s1, s2):
    c = lax.axis_index("c")
    s = lax.axis_index("s")
    wid = c * NS + s
    ssem = [s0, s1, s2]
    pltpu.sync_copy(idx_hbm.at[wid], idxv)
    pltpu.sync_copy(ones_hbm, onesv)
    pltpu.sync_copy(zeros_hbm.at[pl.ds(s * RPT, RPT)],
                    acc.at[pl.ds(s * RPT, RPT)])
    plsc.subcore_barrier()

    def fire(j, x):
        pltpu.async_copy(onesv, acc.at[idxv.at[j, pl.ds(0, CB)]],
                         ssem[x], add=True)

    def drain(j, x):
        pltpu.make_async_copy(onesv, acc.at[idxv.at[j, pl.ds(0, CB)]],
                              ssem[x]).wait()

    for x in range(3):
        fire(x, x)

    def body(b, carry):
        for x in range(3):
            j = 3 * b + x
            drain(j - 3, x)
            fire(j, x)
        return carry

    lax.fori_loop(1, CHP // 3, body, 0)
    for x in range(3):
        drain(CHP - 3 + x, x)
    plsc.subcore_barrier()
    pltpu.sync_copy(acc.at[pl.ds(s * RPT, RPT)],
                    out_hbm.at[c, pl.ds(s * RPT, RPT)])


@functools.partial(
    pl.kernel,
    out_type=jax.ShapeDtypeStruct((NC, N_PAD, HID_CH), jnp.float32),
    mesh=_MESH,
    scratch_types=[
        pltpu.VMEM((CHP, 2 * CB), jnp.int32),
    ] + [pltpu.VMEM((CB, HID_CH), jnp.float32)] * 3
      + [pltpu.VMEM_SHARED((N_PAD, HID_CH), jnp.float32)]
      + [pltpu.SemaphoreType.DMA] * 3,
)
def _agg_kernel(idx_hbm, table_hbm, zeros_hbm, out_hbm,
                idxv, r0, r1, r2, acc,
                g0, g1, g2):
    c = lax.axis_index("c")
    s = lax.axis_index("s")
    wid = c * NS + s
    rows = [r0, r1, r2]
    gsem = [g0, g1, g2]
    pltpu.sync_copy(idx_hbm.at[wid], idxv)

    def gather(j, x):
        pltpu.async_copy(table_hbm.at[idxv.at[j, pl.ds(CB, CB)]],
                         rows[x], gsem[x])

    def wait_gather(j, x):
        pltpu.make_async_copy(table_hbm.at[idxv.at[j, pl.ds(CB, CB)]],
                              rows[x], gsem[x]).wait()

    def scatter(j, x):
        pltpu.sync_copy(rows[x], acc.at[idxv.at[j, pl.ds(0, CB)]], add=True)

    pltpu.sync_copy(zeros_hbm.at[pl.ds(s * RPT, RPT)],
                    acc.at[pl.ds(s * RPT, RPT)])
    plsc.subcore_barrier()

    gather(0, 0)
    gather(1, 1)
    gather(2, 2)

    def body(b, carry):
        for x in range(3):
            j = 3 * b + x
            wait_gather(j, x)
            scatter(j, x)
            gather(j + 3, x)
        return carry

    lax.fori_loop(0, CHP // 3 - 1, body, 0)
    for x in range(3):
        j = CHP - 3 + x
        wait_gather(j, x)
        scatter(j, x)
    plsc.subcore_barrier()
    pltpu.sync_copy(acc.at[pl.ds(s * RPT, RPT)],
                    out_hbm.at[c, pl.ds(s * RPT, RPT)])



RB = 2000
TCG = N_NODES // RB


def _norm(deg_blk):
    deg = deg_blk[0] + deg_blk[1] + 1.0
    return lax.rsqrt(deg)[:, 0:1]


def _tca_body(x_ref, w_ref, deg_ref, y_ref, ys_ref):
    y = jnp.dot(x_ref[...], w_ref[...], preferred_element_type=jnp.float32)
    n = _norm(deg_ref[...])
    y_ref[...] = y
    ys_ref[...] = y * n


def _tcb_body(p1_ref, y1_ref, b1_ref, deg_ref, h_ref, hs_ref):
    n = _norm(deg_ref[...])
    agg = p1_ref[0] + p1_ref[1]
    h = jnp.maximum(n * agg + (n * n) * y1_ref[...] + b1_ref[...], 0.0)
    h_ref[...] = h
    hs_ref[...] = h * n


def _tcc_body(p2_ref, h_ref, b2_ref, deg_ref, w2_ref, o_ref):
    n = _norm(deg_ref[...])
    z = n * (p2_ref[0] + p2_ref[1]) + (n * n) * h_ref[...]
    o_ref[...] = (jnp.dot(z, w2_ref[...], preferred_element_type=jnp.float32)
                  + b2_ref[...])


def _row_spec(d):
    return pl.BlockSpec((RB, d), lambda i: (i, 0))


def _part_spec(d):
    return pl.BlockSpec((2, RB, d), lambda i: (0, i, 0))


def _full_spec(r, d):
    return pl.BlockSpec((r, d), lambda i: (0, 0))


_tca = pl.pallas_call(
    _tca_body,
    grid=(TCG,),
    in_specs=[_row_spec(IN_CH), _full_spec(IN_CH, HID_CH), _part_spec(DEGW)],
    out_specs=[_row_spec(HID_CH), _row_spec(HID_CH)],
    out_shape=[jax.ShapeDtypeStruct((N_NODES, HID_CH), jnp.float32)] * 2,
)

_tcb = pl.pallas_call(
    _tcb_body,
    grid=(TCG,),
    in_specs=[_part_spec(HID_CH), _row_spec(HID_CH), _full_spec(1, HID_CH),
              _part_spec(DEGW)],
    out_specs=[_row_spec(HID_CH), _row_spec(HID_CH)],
    out_shape=[jax.ShapeDtypeStruct((N_NODES, HID_CH), jnp.float32)] * 2,
)

_tcc = pl.pallas_call(
    _tcc_body,
    grid=(TCG,),
    in_specs=[_part_spec(HID_CH), _row_spec(HID_CH), _full_spec(1, OUT_CH),
              _part_spec(DEGW), _full_spec(HID_CH, OUT_CH)],
    out_specs=_row_spec(OUT_CH),
    out_shape=jax.ShapeDtypeStruct((N_NODES, OUT_CH), jnp.float32),
)


def kernel(x, edge_index, W1, b1, W2, b2):
    ei = edge_index.astype(jnp.int32)
    npad = E_PAD - N_EDGES
    src3 = jnp.concatenate(
        [ei[0], jnp.zeros((npad,), jnp.int32)]).reshape(NW, CHP, CB)
    pad_dst = N_NODES + jnp.arange(npad, dtype=jnp.int32) % (N_PAD - N_NODES)
    dst3 = jnp.concatenate([ei[1], pad_dst]).reshape(NW, CHP, CB)
    idx_pack = jnp.concatenate([dst3, src3], axis=2)
    ones_h = jnp.ones((CB, DEGW), jnp.float32)
    zeros_hid = jnp.zeros((N_PAD, HID_CH), jnp.float32)

    deg2 = _deg_kernel(idx_pack, ones_h, zeros_hid)
    y1, y1s = _tca(x, W1, deg2)
    part1 = _agg_kernel(idx_pack, y1s, zeros_hid)
    h, hs = _tcb(part1, y1, b1.reshape(1, HID_CH), deg2)
    part2 = _agg_kernel(idx_pack, hs, zeros_hid)
    out = _tcc(part2, h, b2.reshape(1, OUT_CH), deg2, W2)
    return out

# --- scband reference (transcript-rebuilt; emitter-appended) ---
"""Pipeline reference for scband-gcn-72988674228318 (READ-ONLY COPY).

The authoritative reference and input builder live on the scoring server;
editing this copy changes nothing except your own understanding.
"""

import jax, jax.numpy as jnp
import numpy as np

N_NODES = 10000
N_EDGES = 320000
IN_CH = 128
HID_CH = 128
OUT_CH = 64


def gcn_conv(x, W, b, edge_index, num_nodes):
    # GCNConv with symmetric normalization and self-loops (PyG semantics)
    src = edge_index[0]
    dst = edge_index[1]
    loop = jnp.arange(num_nodes, dtype=src.dtype)
    src = jnp.concatenate([src, loop])
    dst = jnp.concatenate([dst, loop])
    ones = jnp.ones(src.shape[0], dtype=x.dtype)
    deg = jax.ops.segment_sum(ones, dst, num_segments=num_nodes)
    deg_inv_sqrt = jnp.where(deg > 0, deg ** -0.5, 0.0)
    norm = deg_inv_sqrt[src] * deg_inv_sqrt[dst]
    h = x @ W
    msg = h[src] * norm[:, None]
    out = jax.ops.segment_sum(msg, dst, num_segments=num_nodes)
    return out + b


def setup_inputs(seed: int = 0) -> dict:
    key = jax.random.key(seed)
    k1, k2, k3, k4, k5, k6 = jax.random.split(key, 6)
    x = jax.random.normal(k1, (N_NODES, IN_CH), dtype=jnp.float32)
    edge_index = jax.random.randint(k2, (2, N_EDGES), 0, N_NODES, dtype=jnp.int64)
    # Glorot-style init for conv weights, zero bias (PyG default)
    s1 = (6.0 / (IN_CH + HID_CH)) ** 0.5
    W1 = jax.random.uniform(k3, (IN_CH, HID_CH), dtype=jnp.float32, minval=-s1, maxval=s1)
    b1 = jnp.zeros((HID_CH,), dtype=jnp.float32)
    s2 = (6.0 / (HID_CH + OUT_CH)) ** 0.5
    W2 = jax.random.uniform(k4, (HID_CH, OUT_CH), dtype=jnp.float32, minval=-s2, maxval=s2)
    b2 = jnp.zeros((OUT_CH,), dtype=jnp.float32)
    return {"x": x, "edge_index": edge_index, "W1": W1, "b1": b1, "W2": W2, "b2": b2}


def reference(x, edge_index, W1, b1, W2, b2):
    # x -> GCNConv -> ReLU -> (dropout: identity at inference) -> GCNConv -> logits
    h = gcn_conv(x, W1, b1, edge_index, N_NODES)
    h = jax.nn.relu(h)
    # dropout p=0.5 is identity in eval mode
    out = gcn_conv(h, W2, b2, edge_index, N_NODES)
    return out

if __name__ == "__main__":
    import jax
    _d = setup_inputs()
    print(jax.jit(kernel)(*tuple(_d.values())))

</pallas_src>

<mosaic_0001>
#map = affine_map<(d0, d1) -> (0, 0, 0)>
#map1 = affine_map<(d0, d1) -> (0, 0)>
module attributes {stable_mosaic.version = 14 : i64} {
  func.func @_agg_kernel(%arg0: i32, %arg1: i32, %arg2: memref<32x162x128xi32, #tpu.memory_space<hbm>>, %arg3: memref<10000x128xf32, #tpu.memory_space<hbm>>, %arg4: memref<10240x128xf32, #tpu.memory_space<hbm>>, %arg5: memref<2x10240x128xf32, #tpu.memory_space<hbm>>, %arg6: memref<162x128xi32, #tpu.memory_space<vmem>>, %arg7: memref<64x128xf32, #tpu.memory_space<vmem>>, %arg8: memref<64x128xf32, #tpu.memory_space<vmem>>, %arg9: memref<64x128xf32, #tpu.memory_space<vmem>>, %arg10: memref<10240x128xf32, #tpu.memory_space<vmem_shared>>, %arg11: memref<!tpu.dma_semaphore, #tpu.memory_space<semaphore_mem>>, %arg12: memref<!tpu.dma_semaphore, #tpu.memory_space<semaphore_mem>>, %arg13: memref<!tpu.dma_semaphore, #tpu.memory_space<semaphore_mem>>) attributes {dimension_semantics = [#tpu.dimension_semantics<core_parallel>, #tpu.dimension_semantics<subcore_parallel>], iteration_bounds = array<i64: 2, 16>, scalar_prefetch = 0 : i64, scratch_operands = 8 : i64, tpu.core_type = #tpu.core_type<sc_vector_subcore>, window_params = [{transform_indices = #map}, {transform_indices = #map1}, {transform_indices = #map1}, {transform_indices = #map}]} {
    %mul3A = arith.constant 16 : i32
    %mul3A_0 = arith.muli %arg0, %mul3A : i32
    %add3A = arith.addi %mul3A_0, %arg1 : i32
    "tpu.region"() ({
      %run_scoped3A_57 = tpu.sem_alloc : memref<!tpu.dma_semaphore, #tpu.memory_space<semaphore_mem>>
      %dma_start3A_58 = arith.constant 0 : i32
      %dma_start3A_59 = arith.constant 0 : i32
      %dma_start3A_60 = tpu.memref_slice %arg2[%add3A, %dma_start3A_58, %dma_start3A_59] : memref<32x162x128xi32, #tpu.memory_space<hbm>> -> memref<1x162x128xi32, #tpu.memory_space<hbm>>
      %dma_start3A_61 = tpu.memref_squeeze %dma_start3A_60 : memref<1x162x128xi32, #tpu.memory_space<hbm>> -> memref<162x128xi32, #tpu.memory_space<hbm>>
      %dma_start3A_62 = arith.constant 0 : i32
      %dma_start3A_63 = arith.constant 0 : i32
      %dma_start3A_64 = tpu.memref_slice %arg2[%add3A, %dma_start3A_62, %dma_start3A_63] : memref<32x162x128xi32, #tpu.memory_space<hbm>> -> memref<1x162x128xi32, #tpu.memory_space<hbm>>
      %dma_start3A_65 = tpu.memref_squeeze %dma_start3A_64 : memref<1x162x128xi32, #tpu.memory_space<hbm>> -> memref<162x128xi32, #tpu.memory_space<hbm>>
      tpu.enqueue_dma source(%dma_start3A_65 : memref<162x128xi32, #tpu.memory_space<hbm>>) target(%arg6 : memref<162x128xi32, #tpu.memory_space<vmem>>) target_semaphore(%run_scoped3A_57 : memref<!tpu.dma_semaphore, #tpu.memory_space<semaphore_mem>>)
      %dma_wait3A_66 = arith.constant 0 : i32
      %dma_wait3A_67 = arith.constant 0 : i32
      %dma_wait3A_68 = tpu.memref_slice %arg2[%add3A, %dma_wait3A_66, %dma_wait3A_67] : memref<32x162x128xi32, #tpu.memory_space<hbm>> -> memref<1x162x128xi32, #tpu.memory_space<hbm>>
      %dma_wait3A_69 = tpu.memref_squeeze %dma_wait3A_68 : memref<1x162x128xi32, #tpu.memory_space<hbm>> -> memref<162x128xi32, #tpu.memory_space<hbm>>
      %dma_wait3A_70 = arith.constant 0 : i32
      %dma_wait3A_71 = arith.constant 0 : i32
      %dma_wait3A_72 = tpu.memref_slice %arg2[%add3A, %dma_wait3A_70, %dma_wait3A_71] : memref<32x162x128xi32, #tpu.memory_space<hbm>> -> memref<1x162x128xi32, #tpu.memory_space<hbm>>
      %dma_wait3A_73 = tpu.memref_squeeze %dma_wait3A_72 : memref<1x162x128xi32, #tpu.memory_space<hbm>> -> memref<162x128xi32, #tpu.memory_space<hbm>>
      tpu.wait_dma2 semaphore(%run_scoped3A_57 : memref<!tpu.dma_semaphore, #tpu.memory_space<semaphore_mem>>) src(%dma_wait3A_73 : memref<162x128xi32, #tpu.memory_space<hbm>>) dst(%arg6 : memref<162x128xi32, #tpu.memory_space<vmem>>)
      tpu.yield
    }) : () -> ()
    %mul3A_1 = arith.constant 640 : i32
    %mul3A_2 = arith.muli %arg1, %mul3A_1 : i32
    %mul3A_3 = arith.constant 640 : i32
    %mul3A_4 = arith.muli %arg1, %mul3A_3 : i32
    "tpu.region"() ({
      %run_scoped3A_57 = tpu.sem_alloc : memref<!tpu.dma_semaphore, #tpu.memory_space<semaphore_mem>>
      %dma_start3A_58 = arith.constant 0 : i32
      %dma_start3A_59 = tpu.memref_slice %arg10[%mul3A_4, %dma_start3A_58] : memref<10240x128xf32, #tpu.memory_space<vmem_shared>> -> memref<640x128xf32, #tpu.memory_space<vmem_shared>>
      %dma_start3A_60 = arith.constant 0 : i32
      %dma_start3A_61 = tpu.memref_slice %arg4[%mul3A_2, %dma_start3A_60] : memref<10240x128xf32, #tpu.memory_space<hbm>> -> memref<640x128xf32, #tpu.memory_space<hbm>>
      tpu.enqueue_dma source(%dma_start3A_61 : memref<640x128xf32, #tpu.memory_space<hbm>>) target(%dma_start3A_59 : memref<640x128xf32, #tpu.memory_space<vmem_shared>>) target_semaphore(%run_scoped3A_57 : memref<!tpu.dma_semaphore, #tpu.memory_space<semaphore_mem>>)
      %dma_wait3A_62 = arith.constant 0 : i32
      %dma_wait3A_63 = tpu.memref_slice %arg10[%mul3A_4, %dma_wait3A_62] : memref<10240x128xf32, #tpu.memory_space<vmem_shared>> -> memref<640x128xf32, #tpu.memory_space<vmem_shared>>
      %dma_wait3A_64 = arith.constant 0 : i32
      %dma_wait3A_65 = tpu.memref_slice %arg4[%mul3A_2, %dma_wait3A_64] : memref<10240x128xf32, #tpu.memory_space<hbm>> -> memref<640x128xf32, #tpu.memory_space<hbm>>
      tpu.wait_dma2 semaphore(%run_scoped3A_57 : memref<!tpu.dma_semaphore, #tpu.memory_space<semaphore_mem>>) src(%dma_wait3A_65 : memref<640x128xf32, #tpu.memory_space<hbm>>) dst(%dma_wait3A_63 : memref<640x128xf32, #tpu.memory_space<vmem_shared>>)
      tpu.yield
    }) : () -> ()
    %barrier3A = arith.constant 0 : index
    tpu.barrier barrier_id(%barrier3A)
    %dma_start3A = arith.constant 0 : i32
    %dma_start3A_5 = arith.constant 64 : i32
    %dma_start3A_6 = tpu.memref_slice %arg6[%dma_start3A, %dma_start3A_5] : memref<162x128xi32, #tpu.memory_space<vmem>> -> memref<1x64xi32, #tpu.memory_space<vmem>>
    %dma_start3A_7 = tpu.memref_squeeze %dma_start3A_6 : memref<1x64xi32, #tpu.memory_space<vmem>> -> memref<64xi32, #tpu.memory_space<vmem>>
    %dma_start3A_8 = arith.constant 0 : i32
    %dma_start3A_9 = arith.constant 0 : i32
    %dma_start3A_10 = tpu.memref_slice %arg3[%dma_start3A_8, %dma_start3A_9] : memref<10000x128xf32, #tpu.memory_space<hbm>> -> memref<10000x128xf32, #tpu.memory_space<hbm>>
    tpu.enqueue_indirect_dma source(%dma_start3A_10 : memref<10000x128xf32, #tpu.memory_space<hbm>>) target(%arg7 : memref<64x128xf32, #tpu.memory_space<vmem>>) offsets(%dma_start3A_7 : memref<64xi32, #tpu.memory_space<vmem>>) semaphore(%arg11 : memref<!tpu.dma_semaphore, #tpu.memory_space<semaphore_mem>>)
    %dma_start3A_11 = arith.constant 1 : i32
    %dma_start3A_12 = arith.constant 64 : i32
    %dma_start3A_13 = tpu.memref_slice %arg6[%dma_start3A_11, %dma_start3A_12] : memref<162x128xi32, #tpu.memory_space<vmem>> -> memref<1x64xi32, #tpu.memory_space<vmem>>
    %dma_start3A_14 = tpu.memref_squeeze %dma_start3A_13 : memref<1x64xi32, #tpu.memory_space<vmem>> -> memref<64xi32, #tpu.memory_space<vmem>>
    %dma_start3A_15 = arith.constant 0 : i32
    %dma_start3A_16 = arith.constant 0 : i32
    %dma_start3A_17 = tpu.memref_slice %arg3[%dma_start3A_15, %dma_start3A_16] : memref<10000x128xf32, #tpu.memory_space<hbm>> -> memref<10000x128xf32, #tpu.memory_space<hbm>>
    tpu.enqueue_indirect_dma source(%dma_start3A_17 : memref<10000x128xf32, #tpu.memory_space<hbm>>) target(%arg8 : memref<64x128xf32, #tpu.memory_space<vmem>>) offsets(%dma_start3A_14 : memref<64xi32, #tpu.memory_space<vmem>>) semaphore(%arg12 : memref<!tpu.dma_semaphore, #tpu.memory_space<semaphore_mem>>)
    %dma_start3A_18 = arith.constant 2 : i32
    %dma_start3A_19 = arith.constant 64 : i32
    %dma_start3A_20 = tpu.memref_slice %arg6[%dma_start3A_18, %dma_start3A_19] : memref<162x128xi32, #tpu.memory_space<vmem>> -> memref<1x64xi32, #tpu.memory_space<vmem>>
    %dma_start3A_21 = tpu.memref_squeeze %dma_start3A_20 : memref<1x64xi32, #tpu.memory_space<vmem>> -> memref<64xi32, #tpu.memory_space<vmem>>
    %dma_start3A_22 = arith.constant 0 : i32
    %dma_start3A_23 = arith.constant 0 : i32
    %dma_start3A_24 = tpu.memref_slice %arg3[%dma_start3A_22, %dma_start3A_23] : memref<10000x128xf32, #tpu.memory_space<hbm>> -> memref<10000x128xf32, #tpu.memory_space<hbm>>
    tpu.enqueue_indirect_dma source(%dma_start3A_24 : memref<10000x128xf32, #tpu.memory_space<hbm>>) target(%arg9 : memref<64x128xf32, #tpu.memory_space<vmem>>) offsets(%dma_start3A_21 : memref<64xi32, #tpu.memory_space<vmem>>) semaphore(%arg13 : memref<!tpu.dma_semaphore, #tpu.memory_space<semaphore_mem>>)
    %scan3A = arith.constant 0 : i32
    %scan3A_25 = arith.constant 0 : i32
    %scan3A_26 = arith.constant 53 : i32
    %scan3A_27 = arith.addi %scan3A_25, %scan3A_26 : i32
    %scan3A_28 = arith.constant 1 : i32
    scf.for %scan3A_57 = %scan3A_25 to %scan3A_27 step %scan3A_28  : i32 {
      %mul3A_58 = arith.constant 3 : i32
      %mul3A_59 = arith.muli %mul3A_58, %scan3A_57 : i32
      %add3A_60 = arith.constant 0 : i32
      %add3A_61 = arith.addi %mul3A_59, %add3A_60 : i32
      %dma_wait3A_62 = arith.constant 64 : i32
      %dma_wait3A_63 = tpu.memref_slice %arg6[%add3A_61, %dma_wait3A_62] : memref<162x128xi32, #tpu.memory_space<vmem>> -> memref<1x64xi32, #tpu.memory_space<vmem>>
      %dma_wait3A_64 = tpu.memref_squeeze %dma_wait3A_63 : memref<1x64xi32, #tpu.memory_space<vmem>> -> memref<64xi32, #tpu.memory_space<vmem>>
      %dma_wait3A_65 = arith.constant 0 : i32
      %dma_wait3A_66 = arith.constant 0 : i32
      %dma_wait3A_67 = tpu.memref_slice %arg3[%dma_wait3A_65, %dma_wait3A_66] : memref<10000x128xf32, #tpu.memory_space<hbm>> -> memref<10000x128xf32, #tpu.memory_space<hbm>>
      tpu.wait_indirect_dma semaphore(%arg11 : memref<!tpu.dma_semaphore, #tpu.memory_space<semaphore_mem>>) src(%dma_wait3A_67 : memref<10000x128xf32, #tpu.memory_space<hbm>>) dst(%arg7 : memref<64x128xf32, #tpu.memory_space<vmem>>)
      "tpu.region"() ({
        %run_scoped3A_112 = tpu.sem_alloc : memref<!tpu.dma_semaphore, #tpu.memory_space<semaphore_mem>>
        %dma_start3A_113 = arith.constant 0 : i32
        %dma_start3A_114 = tpu.memref_slice %arg6[%add3A_61, %dma_start3A_113] : memref<162x128xi32, #tpu.memory_space<vmem>> -> memref<1x64xi32, #tpu.memory_space<vmem>>
        %dma_start3A_115 = tpu.memref_squeeze %dma_start3A_114 : memref<1x64xi32, #tpu.memory_space<vmem>> -> memref<64xi32, #tpu.memory_space<vmem>>
        %dma_start3A_116 = arith.constant 0 : i32
        %dma_start3A_117 = arith.constant 0 : i32
        %dma_start3A_118 = tpu.memref_slice %arg10[%dma_start3A_116, %dma_start3A_117] : memref<10240x128xf32, #tpu.memory_space<vmem_shared>> -> memref<10240x128xf32, #tpu.memory_space<vmem_shared>>
        tpu.enqueue_indirect_dma source(%arg7 : memref<64x128xf32, #tpu.memory_space<vmem>>) target(%dma_start3A_118 : memref<10240x128xf32, #tpu.memory_space<vmem_shared>>) offsets(%dma_start3A_115 : memref<64xi32, #tpu.memory_space<vmem>>) semaphore(%run_scoped3A_112 : memref<!tpu.dma_semaphore, #tpu.memory_space<semaphore_mem>>) {add = true}
        %dma_wait3A_119 = arith.constant 0 : i32
        %dma_wait3A_120 = tpu.memref_slice %arg6[%add3A_61, %dma_wait3A_119] : memref<162x128xi32, #tpu.memory_space<vmem>> -> memref<1x64xi32, #tpu.memory_space<vmem>>
        %dma_wait3A_121 = tpu.memref_squeeze %dma_wait3A_120 : memref<1x64xi32, #tpu.memory_space<vmem>> -> memref<64xi32, #tpu.memory_space<vmem>>
        %dma_wait3A_122 = arith.constant 0 : i32
        %dma_wait3A_123 = arith.constant 0 : i32
        %dma_wait3A_124 = tpu.memref_slice %arg10[%dma_wait3A_122, %dma_wait3A_123] : memref<10240x128xf32, #tpu.memory_space<vmem_shared>> -> memref<10240x128xf32, #tpu.memory_space<vmem_shared>>
        tpu.wait_indirect_dma semaphore(%run_scoped3A_112 : memref<!tpu.dma_semaphore, #tpu.memory_space<semaphore_mem>>) src(%arg7 : memref<64x128xf32, #tpu.memory_space<vmem>>) dst(%dma_wait3A_124 : memref<10240x128xf32, #tpu.memory_space<vmem_shared>>)
        tpu.yield
      }) : () -> ()
      %add3A_68 = arith.constant 3 : i32
      %add3A_69 = arith.addi %add3A_61, %add3A_68 : i32
      %dma_start3A_70 = arith.constant 64 : i32
      %dma_start3A_71 = tpu.memref_slice %arg6[%add3A_69, %dma_start3A_70] : memref<162x128xi32, #tpu.memory_space<vmem>> -> memref<1x64xi32, #tpu.memory_space<vmem>>
      %dma_start3A_72 = tpu.memref_squeeze %dma_start3A_71 : memref<1x64xi32, #tpu.memory_space<vmem>> -> memref<64xi32, #tpu.memory_space<vmem>>
      %dma_start3A_73 = arith.constant 0 : i32
      %dma_start3A_74 = arith.constant 0 : i32
      %dma_start3A_75 = tpu.memref_slice %arg3[%dma_start3A_73, %dma_start3A_74] : memref<10000x128xf32, #tpu.memory_space<hbm>> -> memref<10000x128xf32, #tpu.memory_space<hbm>>
      tpu.enqueue_indirect_dma source(%dma_start3A_75 : memref<10000x128xf32, #tpu.memory_space<hbm>>) target(%arg7 : memref<64x128xf32, #tpu.memory_space<vmem>>) offsets(%dma_start3A_72 : memref<64xi32, #tpu.memory_space<vmem>>) semaphore(%arg11 : memref<!tpu.dma_semaphore, #tpu.memory_space<semaphore_mem>>)
      %mul3A_76 = arith.constant 3 : i32
      %mul3A_77 = arith.muli %mul3A_76, %scan3A_57 : i32
      %add3A_78 = arith.constant 1 : i32
      %add3A_79 = arith.addi %mul3A_77, %add3A_78 : i32
      %dma_wait3A_80 = arith.constant 64 : i32
      %dma_wait3A_81 = tpu.memref_slice %arg6[%add3A_79, %dma_wait3A_80] : memref<162x128xi32, #tpu.memory_space<vmem>> -> memref<1x64xi32, #tpu.memory_space<vmem>>
      %dma_wait3A_82 = tpu.memref_squeeze %dma_wait3A_81 : memref<1x64xi32, #tpu.memory_space<vmem>> -> memref<64xi32, #tpu.memory_space<vmem>>
      %dma_wait3A_83 = arith.constant 0 : i32
      %dma_wait3A_84 = arith.constant 0 : i32
      %dma_wait3A_85 = tpu.memref_slice %arg3[%dma_wait3A_83, %dma_wait3A_84] : memref<10000x128xf32, #tpu.memory_space<hbm>> -> memref<10000x128xf32, #tpu.memory_space<hbm>>
      tpu.wait_indirect_dma semaphore(%arg12 : memref<!tpu.dma_semaphore, #tpu.memory_space<semaphore_mem>>) src(%dma_wait3A_85 : memref<10000x128xf32, #tpu.memory_space<hbm>>) dst(%arg8 : memref<64x128xf32, #tpu.memory_space<vmem>>)
      "tpu.region"() ({
        %run_scoped3A_112 = tpu.sem_alloc : memref<!tpu.dma_semaphore, #tpu.memory_space<semaphore_mem>>
        %dma_start3A_113 = arith.constant 0 : i32
        %dma_start3A_114 = tpu.memref_slice %arg6[%add3A_79, %dma_start3A_113] : memref<162x128xi32, #tpu.memory_space<vmem>> -> memref<1x64xi32, #tpu.memory_space<vmem>>
        %dma_start3A_115 = tpu.memref_squeeze %dma_start3A_114 : memref<1x64xi32, #tpu.memory_space<vmem>> -> memref<64xi32, #tpu.memory_space<vmem>>
        %dma_start3A_116 = arith.constant 0 : i32
        %dma_start3A_117 = arith.constant 0 : i32
        %dma_start3A_118 = tpu.memref_slice %arg10[%dma_start3A_116, %dma_start3A_117] : memref<10240x128xf32, #tpu.memory_space<vmem_shared>> -> memref<10240x128xf32, #tpu.memory_space<vmem_shared>>
        tpu.enqueue_indirect_dma source(%arg8 : memref<64x128xf32, #tpu.memory_space<vmem>>) target(%dma_start3A_118 : memref<10240x128xf32, #tpu.memory_space<vmem_shared>>) offsets(%dma_start3A_115 : memref<64xi32, #tpu.memory_space<vmem>>) semaphore(%run_scoped3A_112 : memref<!tpu.dma_semaphore, #tpu.memory_space<semaphore_mem>>) {add = true}
        %dma_wait3A_119 = arith.constant 0 : i32
        %dma_wait3A_120 = tpu.memref_slice %arg6[%add3A_79, %dma_wait3A_119] : memref<162x128xi32, #tpu.memory_space<vmem>> -> memref<1x64xi32, #tpu.memory_space<vmem>>
        %dma_wait3A_121 = tpu.memref_squeeze %dma_wait3A_120 : memref<1x64xi32, #tpu.memory_space<vmem>> -> memref<64xi32, #tpu.memory_space<vmem>>
        %dma_wait3A_122 = arith.constant 0 : i32
        %dma_wait3A_123 = arith.constant 0 : i32
        %dma_wait3A_124 = tpu.memref_slice %arg10[%dma_wait3A_122, %dma_wait3A_123] : memref<10240x128xf32, #tpu.memory_space<vmem_shared>> -> memref<10240x128xf32, #tpu.memory_space<vmem_shared>>
        tpu.wait_indirect_dma semaphore(%run_scoped3A_112 : memref<!tpu.dma_semaphore, #tpu.memory_space<semaphore_mem>>) src(%arg8 : memref<64x128xf32, #tpu.memory_space<vmem>>) dst(%dma_wait3A_124 : memref<10240x128xf32, #tpu.memory_space<vmem_shared>>)
        tpu.yield
      }) : () -> ()
      %add3A_86 = arith.constant 3 : i32
      %add3A_87 = arith.addi %add3A_79, %add3A_86 : i32
      %dma_start3A_88 = arith.constant 64 : i32
      %dma_start3A_89 = tpu.memref_slice %arg6[%add3A_87, %dma_start3A_88] : memref<162x128xi32, #tpu.memory_space<vmem>> -> memref<1x64xi32, #tpu.memory_space<vmem>>
      %dma_start3A_90 = tpu.memref_squeeze %dma_start3A_89 : memref<1x64xi32, #tpu.memory_space<vmem>> -> memref<64xi32, #tpu.memory_space<vmem>>
      %dma_start3A_91 = arith.constant 0 : i32
      %dma_start3A_92 = arith.constant 0 : i32
      %dma_start3A_93 = tpu.memref_slice %arg3[%dma_start3A_91, %dma_start3A_92] : memref<10000x128xf32, #tpu.memory_space<hbm>> -> memref<10000x128xf32, #tpu.memory_space<hbm>>
      tpu.enqueue_indirect_dma source(%dma_start3A_93 : memref<10000x128xf32, #tpu.memory_space<hbm>>) target(%arg8 : memref<64x128xf32, #tpu.memory_space<vmem>>) offsets(%dma_start3A_90 : memref<64xi32, #tpu.memory_space<vmem>>) semaphore(%arg12 : memref<!tpu.dma_semaphore, #tpu.memory_space<semaphore_mem>>)
      %mul3A_94 = arith.constant 3 : i32
      %mul3A_95 = arith.muli %mul3A_94, %scan3A_57 : i32
      %add3A_96 = arith.constant 2 : i32
      %add3A_97 = arith.addi %mul3A_95, %add3A_96 : i32
      %dma_wait3A_98 = arith.constant 64 : i32
      %dma_wait3A_99 = tpu.memref_slice %arg6[%add3A_97, %dma_wait3A_98] : memref<162x128xi32, #tpu.memory_space<vmem>> -> memref<1x64xi32, #tpu.memory_space<vmem>>
      %dma_wait3A_100 = tpu.memref_squeeze %dma_wait3A_99 : memref<1x64xi32, #tpu.memory_space<vmem>> -> memref<64xi32, #tpu.memory_space<vmem>>
      %dma_wait3A_101 = arith.constant 0 : i32
      %dma_wait3A_102 = arith.constant 0 : i32
      %dma_wait3A_103 = tpu.memref_slice %arg3[%dma_wait3A_101, %dma_wait3A_102] : memref<10000x128xf32, #tpu.memory_space<hbm>> -> memref<10000x128xf32, #tpu.memory_space<hbm>>
      tpu.wait_indirect_dma semaphore(%arg13 : memref<!tpu.dma_semaphore, #tpu.memory_space<semaphore_mem>>) src(%dma_wait3A_103 : memref<10000x128xf32, #tpu.memory_space<hbm>>) dst(%arg9 : memref<64x128xf32, #tpu.memory_space<vmem>>)
      "tpu.region"() ({
        %run_scoped3A_112 = tpu.sem_alloc : memref<!tpu.dma_semaphore, #tpu.memory_space<semaphore_mem>>
        %dma_start3A_113 = arith.constant 0 : i32
        %dma_start3A_114 = tpu.memref_slice %arg6[%add3A_97, %dma_start3A_113] : memref<162x128xi32, #tpu.memory_space<vmem>> -> memref<1x64xi32, #tpu.memory_space<vmem>>
        %dma_start3A_115 = tpu.memref_squeeze %dma_start3A_114 : memref<1x64xi32, #tpu.memory_space<vmem>> -> memref<64xi32, #tpu.memory_space<vmem>>
        %dma_start3A_116 = arith.constant 0 : i32
        %dma_start3A_117 = arith.constant 0 : i32
        %dma_start3A_118 = tpu.memref_slice %arg10[%dma_start3A_116, %dma_start3A_117] : memref<10240x128xf32, #tpu.memory_space<vmem_shared>> -> memref<10240x128xf32, #tpu.memory_space<vmem_shared>>
        tpu.enqueue_indirect_dma source(%arg9 : memref<64x128xf32, #tpu.memory_space<vmem>>) target(%dma_start3A_118 : memref<10240x128xf32, #tpu.memory_space<vmem_shared>>) offsets(%dma_start3A_115 : memref<64xi32, #tpu.memory_space<vmem>>) semaphore(%run_scoped3A_112 : memref<!tpu.dma_semaphore, #tpu.memory_space<semaphore_mem>>) {add = true}
        %dma_wait3A_119 = arith.constant 0 : i32
        %dma_wait3A_120 = tpu.memref_slice %arg6[%add3A_97, %dma_wait3A_119] : memref<162x128xi32, #tpu.memory_space<vmem>> -> memref<1x64xi32, #tpu.memory_space<vmem>>
        %dma_wait3A_121 = tpu.memref_squeeze %dma_wait3A_120 : memref<1x64xi32, #tpu.memory_space<vmem>> -> memref<64xi32, #tpu.memory_space<vmem>>
        %dma_wait3A_122 = arith.constant 0 : i32
        %dma_wait3A_123 = arith.constant 0 : i32
        %dma_wait3A_124 = tpu.memref_slice %arg10[%dma_wait3A_122, %dma_wait3A_123] : memref<10240x128xf32, #tpu.memory_space<vmem_shared>> -> memref<10240x128xf32, #tpu.memory_space<vmem_shared>>
        tpu.wait_indirect_dma semaphore(%run_scoped3A_112 : memref<!tpu.dma_semaphore, #tpu.memory_space<semaphore_mem>>) src(%arg9 : memref<64x128xf32, #tpu.memory_space<vmem>>) dst(%dma_wait3A_124 : memref<10240x128xf32, #tpu.memory_space<vmem_shared>>)
        tpu.yield
      }) : () -> ()
      %add3A_104 = arith.constant 3 : i32
      %add3A_105 = arith.addi %add3A_97, %add3A_104 : i32
      %dma_start3A_106 = arith.constant 64 : i32
      %dma_start3A_107 = tpu.memref_slice %arg6[%add3A_105, %dma_start3A_106] : memref<162x128xi32, #tpu.memory_space<vmem>> -> memref<1x64xi32, #tpu.memory_space<vmem>>
      %dma_start3A_108 = tpu.memref_squeeze %dma_start3A_107 : memref<1x64xi32, #tpu.memory_space<vmem>> -> memref<64xi32, #tpu.memory_space<vmem>>
      %dma_start3A_109 = arith.constant 0 : i32
      %dma_start3A_110 = arith.constant 0 : i32
      %dma_start3A_111 = tpu.memref_slice %arg3[%dma_start3A_109, %dma_start3A_110] : memref<10000x128xf32, #tpu.memory_space<hbm>> -> memref<10000x128xf32, #tpu.memory_space<hbm>>
      tpu.enqueue_indirect_dma source(%dma_start3A_111 : memref<10000x128xf32, #tpu.memory_space<hbm>>) target(%arg9 : memref<64x128xf32, #tpu.memory_space<vmem>>) offsets(%dma_start3A_108 : memref<64xi32, #tpu.memory_space<vmem>>) semaphore(%arg13 : memref<!tpu.dma_semaphore, #tpu.memory_space<semaphore_mem>>)
    }
    %scan3A_29 = arith.constant 53 : i32
    %dma_wait3A = arith.constant 159 : i32
    %dma_wait3A_30 = arith.constant 64 : i32
    %dma_wait3A_31 = tpu.memref_slice %arg6[%dma_wait3A, %dma_wait3A_30] : memref<162x128xi32, #tpu.memory_space<vmem>> -> memref<1x64xi32, #tpu.memory_space<vmem>>
    %dma_wait3A_32 = tpu.memref_squeeze %dma_wait3A_31 : memref<1x64xi32, #tpu.memory_space<vmem>> -> memref<64xi32, #tpu.memory_space<vmem>>
    %dma_wait3A_33 = arith.constant 0 : i32
    %dma_wait3A_34 = arith.constant 0 : i32
    %dma_wait3A_35 = tpu.memref_slice %arg3[%dma_wait3A_33, %dma_wait3A_34] : memref<10000x128xf32, #tpu.memory_space<hbm>> -> memref<10000x128xf32, #tpu.memory_space<hbm>>
    tpu.wait_indirect_dma semaphore(%arg11 : memref<!tpu.dma_semaphore, #tpu.memory_space<semaphore_mem>>) src(%dma_wait3A_35 : memref<10000x128xf32, #tpu.memory_space<hbm>>) dst(%arg7 : memref<64x128xf32, #tpu.memory_space<vmem>>)
    %run_scoped3A = arith.constant 159 : i32
    "tpu.region"() ({
      %run_scoped3A_57 = tpu.sem_alloc : memref<!tpu.dma_semaphore, #tpu.memory_space<semaphore_mem>>
      %dma_start3A_58 = arith.constant 0 : i32
      %dma_start3A_59 = tpu.memref_slice %arg6[%run_scoped3A, %dma_start3A_58] : memref<162x128xi32, #tpu.memory_space<vmem>> -> memref<1x64xi32, #tpu.memory_space<vmem>>
      %dma_start3A_60 = tpu.memref_squeeze %dma_start3A_59 : memref<1x64xi32, #tpu.memory_space<vmem>> -> memref<64xi32, #tpu.memory_space<vmem>>
      %dma_start3A_61 = arith.constant 0 : i32
      %dma_start3A_62 = arith.constant 0 : i32
      %dma_start3A_63 = tpu.memref_slice %arg10[%dma_start3A_61, %dma_start3A_62] : memref<10240x128xf32, #tpu.memory_space<vmem_shared>> -> memref<10240x128xf32, #tpu.memory_space<vmem_shared>>
      tpu.enqueue_indirect_dma source(%arg7 : memref<64x128xf32, #tpu.memory_space<vmem>>) target(%dma_start3A_63 : memref<10240x128xf32, #tpu.memory_space<vmem_shared>>) offsets(%dma_start3A_60 : memref<64xi32, #tpu.memory_space<vmem>>) semaphore(%run_scoped3A_57 : memref<!tpu.dma_semaphore, #tpu.memory_space<semaphore_mem>>) {add = true}
      %dma_wait3A_64 = arith.constant 0 : i32
      %dma_wait3A_65 = tpu.memref_slice %arg6[%run_scoped3A, %dma_wait3A_64] : memref<162x128xi32, #tpu.memory_space<vmem>> -> memref<1x64xi32, #tpu.memory_space<vmem>>
      %dma_wait3A_66 = tpu.memref_squeeze %dma_wait3A_65 : memref<1x64xi32, #tpu.memory_space<vmem>> -> memref<64xi32, #tpu.memory_space<vmem>>
      %dma_wait3A_67 = arith.constant 0 : i32
      %dma_wait3A_68 = arith.constant 0 : i32
      %dma_wait3A_69 = tpu.memref_slice %arg10[%dma_wait3A_67, %dma_wait3A_68] : memref<10240x128xf32, #tpu.memory_space<vmem_shared>> -> memref<10240x128xf32, #tpu.memory_space<vmem_shared>>
      tpu.wait_indirect_dma semaphore(%run_scoped3A_57 : memref<!tpu.dma_semaphore, #tpu.memory_space<semaphore_mem>>) src(%arg7 : memref<64x128xf32, #tpu.memory_space<vmem>>) dst(%dma_wait3A_69 : memref<10240x128xf32, #tpu.memory_space<vmem_shared>>)
      tpu.yield
    }) : () -> ()
    %dma_wait3A_36 = arith.constant 160 : i32
    %dma_wait3A_37 = arith.constant 64 : i32
    %dma_wait3A_38 = tpu.memref_slice %arg6[%dma_wait3A_36, %dma_wait3A_37] : memref<162x128xi32, #tpu.memory_space<vmem>> -> memref<1x64xi32, #tpu.memory_space<vmem>>
    %dma_wait3A_39 = tpu.memref_squeeze %dma_wait3A_38 : memref<1x64xi32, #tpu.memory_space<vmem>> -> memref<64xi32, #tpu.memory_space<vmem>>
    %dma_wait3A_40 = arith.constant 0 : i32
    %dma_wait3A_41 = arith.constant 0 : i32
    %dma_wait3A_42 = tpu.memref_slice %arg3[%dma_wait3A_40, %dma_wait3A_41] : memref<10000x128xf32, #tpu.memory_space<hbm>> -> memref<10000x128xf32, #tpu.memory_space<hbm>>
    tpu.wait_indirect_dma semaphore(%arg12 : memref<!tpu.dma_semaphore, #tpu.memory_space<semaphore_mem>>) src(%dma_wait3A_42 : memref<10000x128xf32, #tpu.memory_space<hbm>>) dst(%arg8 : memref<64x128xf32, #tpu.memory_space<vmem>>)
    %run_scoped3A_43 = arith.constant 160 : i32
    "tpu.region"() ({
      %run_scoped3A_57 = tpu.sem_alloc : memref<!tpu.dma_semaphore, #tpu.memory_space<semaphore_mem>>
      %dma_start3A_58 = arith.constant 0 : i32
      %dma_start3A_59 = tpu.memref_slice %arg6[%run_scoped3A_43, %dma_start3A_58] : memref<162x128xi32, #tpu.memory_space<vmem>> -> memref<1x64xi32, #tpu.memory_space<vmem>>
      %dma_start3A_60 = tpu.memref_squeeze %dma_start3A_59 : memref<1x64xi32, #tpu.memory_space<vmem>> -> memref<64xi32, #tpu.memory_space<vmem>>
      %dma_start3A_61 = arith.constant 0 : i32
      %dma_start3A_62 = arith.constant 0 : i32
      %dma_start3A_63 = tpu.memref_slice %arg10[%dma_start3A_61, %dma_start3A_62] : memref<10240x128xf32, #tpu.memory_space<vmem_shared>> -> memref<10240x128xf32, #tpu.memory_space<vmem_shared>>
      tpu.enqueue_indirect_dma source(%arg8 : memref<64x128xf32, #tpu.memory_space<vmem>>) target(%dma_start3A_63 : memref<10240x128xf32, #tpu.memory_space<vmem_shared>>) offsets(%dma_start3A_60 : memref<64xi32, #tpu.memory_space<vmem>>) semaphore(%run_scoped3A_57 : memref<!tpu.dma_semaphore, #tpu.memory_space<semaphore_mem>>) {add = true}
      %dma_wait3A_64 = arith.constant 0 : i32
      %dma_wait3A_65 = tpu.memref_slice %arg6[%run_scoped3A_43, %dma_wait3A_64] : memref<162x128xi32, #tpu.memory_space<vmem>> -> memref<1x64xi32, #tpu.memory_space<vmem>>
      %dma_wait3A_66 = tpu.memref_squeeze %dma_wait3A_65 : memref<1x64xi32, #tpu.memory_space<vmem>> -> memref<64xi32, #tpu.memory_space<vmem>>
      %dma_wait3A_67 = arith.constant 0 : i32
      %dma_wait3A_68 = arith.constant 0 : i32
      %dma_wait3A_69 = tpu.memref_slice %arg10[%dma_wait3A_67, %dma_wait3A_68] : memref<10240x128xf32, #tpu.memory_space<vmem_shared>> -> memref<10240x128xf32, #tpu.memory_space<vmem_shared>>
      tpu.wait_indirect_dma semaphore(%run_scoped3A_57 : memref<!tpu.dma_semaphore, #tpu.memory_space<semaphore_mem>>) src(%arg8 : memref<64x128xf32, #tpu.memory_space<vmem>>) dst(%dma_wait3A_69 : memref<10240x128xf32, #tpu.memory_space<vmem_shared>>)
      tpu.yield
    }) : () -> ()
    %dma_wait3A_44 = arith.constant 161 : i32
    %dma_wait3A_45 = arith.constant 64 : i32
    %dma_wait3A_46 = tpu.memref_slice %arg6[%dma_wait3A_44, %dma_wait3A_45] : memref<162x128xi32, #tpu.memory_space<vmem>> -> memref<1x64xi32, #tpu.memory_space<vmem>>
    %dma_wait3A_47 = tpu.memref_squeeze %dma_wait3A_46 : memref<1x64xi32, #tpu.memory_space<vmem>> -> memref<64xi32, #tpu.memory_space<vmem>>
    %dma_wait3A_48 = arith.constant 0 : i32
    %dma_wait3A_49 = arith.constant 0 : i32
    %dma_wait3A_50 = tpu.memref_slice %arg3[%dma_wait3A_48, %dma_wait3A_49] : memref<10000x128xf32, #tpu.memory_space<hbm>> -> memref<10000x128xf32, #tpu.memory_space<hbm>>
    tpu.wait_indirect_dma semaphore(%arg13 : memref<!tpu.dma_semaphore, #tpu.memory_space<semaphore_mem>>) src(%dma_wait3A_50 : memref<10000x128xf32, #tpu.memory_space<hbm>>) dst(%arg9 : memref<64x128xf32, #tpu.memory_space<vmem>>)
    %run_scoped3A_51 = arith.constant 161 : i32
    "tpu.region"() ({
      %run_scoped3A_57 = tpu.sem_alloc : memref<!tpu.dma_semaphore, #tpu.memory_space<semaphore_mem>>
      %dma_start3A_58 = arith.constant 0 : i32
      %dma_start3A_59 = tpu.memref_slice %arg6[%run_scoped3A_51, %dma_start3A_58] : memref<162x128xi32, #tpu.memory_space<vmem>> -> memref<1x64xi32, #tpu.memory_space<vmem>>
      %dma_start3A_60 = tpu.memref_squeeze %dma_start3A_59 : memref<1x64xi32, #tpu.memory_space<vmem>> -> memref<64xi32, #tpu.memory_space<vmem>>
      %dma_start3A_61 = arith.constant 0 : i32
      %dma_start3A_62 = arith.constant 0 : i32
      %dma_start3A_63 = tpu.memref_slice %arg10[%dma_start3A_61, %dma_start3A_62] : memref<10240x128xf32, #tpu.memory_space<vmem_shared>> -> memref<10240x128xf32, #tpu.memory_space<vmem_shared>>
      tpu.enqueue_indirect_dma source(%arg9 : memref<64x128xf32, #tpu.memory_space<vmem>>) target(%dma_start3A_63 : memref<10240x128xf32, #tpu.memory_space<vmem_shared>>) offsets(%dma_start3A_60 : memref<64xi32, #tpu.memory_space<vmem>>) semaphore(%run_scoped3A_57 : memref<!tpu.dma_semaphore, #tpu.memory_space<semaphore_mem>>) {add = true}
      %dma_wait3A_64 = arith.constant 0 : i32
      %dma_wait3A_65 = tpu.memref_slice %arg6[%run_scoped3A_51, %dma_wait3A_64] : memref<162x128xi32, #tpu.memory_space<vmem>> -> memref<1x64xi32, #tpu.memory_space<vmem>>
      %dma_wait3A_66 = tpu.memref_squeeze %dma_wait3A_65 : memref<1x64xi32, #tpu.memory_space<vmem>> -> memref<64xi32, #tpu.memory_space<vmem>>
      %dma_wait3A_67 = arith.constant 0 : i32
      %dma_wait3A_68 = arith.constant 0 : i32
      %dma_wait3A_69 = tpu.memref_slice %arg10[%dma_wait3A_67, %dma_wait3A_68] : memref<10240x128xf32, #tpu.memory_space<vmem_shared>> -> memref<10240x128xf32, #tpu.memory_space<vmem_shared>>
      tpu.wait_indirect_dma semaphore(%run_scoped3A_57 : memref<!tpu.dma_semaphore, #tpu.memory_space<semaphore_mem>>) src(%arg9 : memref<64x128xf32, #tpu.memory_space<vmem>>) dst(%dma_wait3A_69 : memref<10240x128xf32, #tpu.memory_space<vmem_shared>>)
      tpu.yield
    }) : () -> ()
    %barrier3A_52 = arith.constant 0 : index
    tpu.barrier barrier_id(%barrier3A_52)
    %mul3A_53 = arith.constant 640 : i32
    %mul3A_54 = arith.muli %arg1, %mul3A_53 : i32
    %mul3A_55 = arith.constant 640 : i32
    %mul3A_56 = arith.muli %arg1, %mul3A_55 : i32
    "tpu.region"() ({
      %run_scoped3A_57 = tpu.sem_alloc : memref<!tpu.dma_semaphore, #tpu.memory_space<semaphore_mem>>
      %dma_start3A_58 = arith.constant 0 : i32
      %dma_start3A_59 = tpu.memref_slice %arg5[%arg0, %mul3A_56, %dma_start3A_58] : memref<2x10240x128xf32, #tpu.memory_space<hbm>> -> memref<1x640x128xf32, #tpu.memory_space<hbm>>
      %dma_start3A_60 = tpu.memref_squeeze %dma_start3A_59 : memref<1x640x128xf32, #tpu.memory_space<hbm>> -> memref<640x128xf32, #tpu.memory_space<hbm>>
      %dma_start3A_61 = arith.constant 0 : i32
      %dma_start3A_62 = tpu.memref_slice %arg10[%mul3A_54, %dma_start3A_61] : memref<10240x128xf32, #tpu.memory_space<vmem_shared>> -> memref<640x128xf32, #tpu.memory_space<vmem_shared>>
      tpu.enqueue_dma source(%dma_start3A_62 : memref<640x128xf32, #tpu.memory_space<vmem_shared>>) target(%dma_start3A_60 : memref<640x128xf32, #tpu.memory_space<hbm>>) target_semaphore(%run_scoped3A_57 : memref<!tpu.dma_semaphore, #tpu.memory_space<semaphore_mem>>)
      %dma_wait3A_63 = arith.constant 0 : i32
      %dma_wait3A_64 = tpu.memref_slice %arg5[%arg0, %mul3A_56, %dma_wait3A_63] : memref<2x10240x128xf32, #tpu.memory_space<hbm>> -> memref<1x640x128xf32, #tpu.memory_space<hbm>>
      %dma_wait3A_65 = tpu.memref_squeeze %dma_wait3A_64 : memref<1x640x128xf32, #tpu.memory_space<hbm>> -> memref<640x128xf32, #tpu.memory_space<hbm>>
      %dma_wait3A_66 = arith.constant 0 : i32
      %dma_wait3A_67 = tpu.memref_slice %arg10[%mul3A_54, %dma_wait3A_66] : memref<10240x128xf32, #tpu.memory_space<vmem_shared>> -> memref<640x128xf32, #tpu.memory_space<vmem_shared>>
      tpu.wait_dma2 semaphore(%run_scoped3A_57 : memref<!tpu.dma_semaphore, #tpu.memory_space<semaphore_mem>>) src(%dma_wait3A_67 : memref<640x128xf32, #tpu.memory_space<vmem_shared>>) dst(%dma_wait3A_65 : memref<640x128xf32, #tpu.memory_space<hbm>>)
      tpu.yield
    }) : () -> ()
    return
  }
}

#map = affine_map<(d0, d1) -> (0, 0, 0)>
#map1 = affine_map<(d0, d1) -> (0, 0)>
module attributes {stable_mosaic.version = 14 : i64} {
  func.func @_deg_kernel(%arg0: i32, %arg1: i32, %arg2: memref<32x162x128xi32, #tpu.memory_space<hbm>>, %arg3: memref<64x128xf32, #tpu.memory_space<hbm>>, %arg4: memref<10240x128xf32, #tpu.memory_space<hbm>>, %arg5: memref<2x10240x128xf32, #tpu.memory_space<hbm>>, %arg6: memref<162x128xi32, #tpu.memory_space<vmem>>, %arg7: memref<64x128xf32, #tpu.memory_space<vmem>>, %arg8: memref<10240x128xf32, #tpu.memory_space<vmem_shared>>, %arg9: memref<!tpu.dma_semaphore, #tpu.memory_space<semaphore_mem>>, %arg10: memref<!tpu.dma_semaphore, #tpu.memory_space<semaphore_mem>>, %arg11: memref<!tpu.dma_semaphore, #tpu.memory_space<semaphore_mem>>) attributes {dimension_semantics = [#tpu.dimension_semantics<core_parallel>, #tpu.dimension_semantics<subcore_parallel>], iteration_bounds = array<i64: 2, 16>, scalar_prefetch = 0 : i64, scratch_operands = 6 : i64, tpu.core_type = #tpu.core_type<sc_vector_subcore>, window_params = [{transform_indices = #map}, {transform_indices = #map1}, {transform_indices = #map1}, {transform_indices = #map}]} {
    %mul3A = arith.constant 16 : i32
    %mul3A_0 = arith.muli %arg0, %mul3A : i32
    %add3A = arith.addi %mul3A_0, %arg1 : i32
    "tpu.region"() ({
      %run_scoped3A = tpu.sem_alloc : memref<!tpu.dma_semaphore, #tpu.memory_space<semaphore_mem>>
      %dma_start3A_55 = arith.constant 0 : i32
      %dma_start3A_56 = arith.constant 0 : i32
      %dma_start3A_57 = tpu.memref_slice %arg2[%add3A, %dma_start3A_55, %dma_start3A_56] : memref<32x162x128xi32, #tpu.memory_space<hbm>> -> memref<1x162x128xi32, #tpu.memory_space<hbm>>
      %dma_start3A_58 = tpu.memref_squeeze %dma_start3A_57 : memref<1x162x128xi32, #tpu.memory_space<hbm>> -> memref<162x128xi32, #tpu.memory_space<hbm>>
      %dma_start3A_59 = arith.constant 0 : i32
      %dma_start3A_60 = arith.constant 0 : i32
      %dma_start3A_61 = tpu.memref_slice %arg2[%add3A, %dma_start3A_59, %dma_start3A_60] : memref<32x162x128xi32, #tpu.memory_space<hbm>> -> memref<1x162x128xi32, #tpu.memory_space<hbm>>
      %dma_start3A_62 = tpu.memref_squeeze %dma_start3A_61 : memref<1x162x128xi32, #tpu.memory_space<hbm>> -> memref<162x128xi32, #tpu.memory_space<hbm>>
      tpu.enqueue_dma source(%dma_start3A_62 : memref<162x128xi32, #tpu.memory_space<hbm>>) target(%arg6 : memref<162x128xi32, #tpu.memory_space<vmem>>) target_semaphore(%run_scoped3A : memref<!tpu.dma_semaphore, #tpu.memory_space<semaphore_mem>>)
      %dma_wait3A_63 = arith.constant 0 : i32
      %dma_wait3A_64 = arith.constant 0 : i32
      %dma_wait3A_65 = tpu.memref_slice %arg2[%add3A, %dma_wait3A_63, %dma_wait3A_64] : memref<32x162x128xi32, #tpu.memory_space<hbm>> -> memref<1x162x128xi32, #tpu.memory_space<hbm>>
      %dma_wait3A_66 = tpu.memref_squeeze %dma_wait3A_65 : memref<1x162x128xi32, #tpu.memory_space<hbm>> -> memref<162x128xi32, #tpu.memory_space<hbm>>
      %dma_wait3A_67 = arith.constant 0 : i32
      %dma_wait3A_68 = arith.constant 0 : i32
      %dma_wait3A_69 = tpu.memref_slice %arg2[%add3A, %dma_wait3A_67, %dma_wait3A_68] : memref<32x162x128xi32, #tpu.memory_space<hbm>> -> memref<1x162x128xi32, #tpu.memory_space<hbm>>
      %dma_wait3A_70 = tpu.memref_squeeze %dma_wait3A_69 : memref<1x162x128xi32, #tpu.memory_space<hbm>> -> memref<162x128xi32, #tpu.memory_space<hbm>>
      tpu.wait_dma2 semaphore(%run_scoped3A : memref<!tpu.dma_semaphore, #tpu.memory_space<semaphore_mem>>) src(%dma_wait3A_70 : memref<162x128xi32, #tpu.memory_space<hbm>>) dst(%arg6 : memref<162x128xi32, #tpu.memory_space<vmem>>)
      tpu.yield
    }) : () -> ()
    "tpu.region"() ({
      %run_scoped3A = tpu.sem_alloc : memref<!tpu.dma_semaphore, #tpu.memory_space<semaphore_mem>>
      tpu.enqueue_dma source(%arg3 : memref<64x128xf32, #tpu.memory_space<hbm>>) target(%arg7 : memref<64x128xf32, #tpu.memory_space<vmem>>) target_semaphore(%run_scoped3A : memref<!tpu.dma_semaphore, #tpu.memory_space<semaphore_mem>>)
      tpu.wait_dma2 semaphore(%run_scoped3A : memref<!tpu.dma_semaphore, #tpu.memory_space<semaphore_mem>>) src(%arg3 : memref<64x128xf32, #tpu.memory_space<hbm>>) dst(%arg7 : memref<64x128xf32, #tpu.memory_space<vmem>>)
      tpu.yield
    }) : () -> ()
    %mul3A_1 = arith.constant 640 : i32
    %mul3A_2 = arith.muli %arg1, %mul3A_1 : i32
    %mul3A_3 = arith.constant 640 : i32
    %mul3A_4 = arith.muli %arg1, %mul3A_3 : i32
    "tpu.region"() ({
      %run_scoped3A = tpu.sem_alloc : memref<!tpu.dma_semaphore, #tpu.memory_space<semaphore_mem>>
      %dma_start3A_55 = arith.constant 0 : i32
      %dma_start3A_56 = tpu.memref_slice %arg8[%mul3A_4, %dma_start3A_55] : memref<10240x128xf32, #tpu.memory_space<vmem_shared>> -> memref<640x128xf32, #tpu.memory_space<vmem_shared>>
      %dma_start3A_57 = arith.constant 0 : i32
      %dma_start3A_58 = tpu.memref_slice %arg4[%mul3A_2, %dma_start3A_57] : memref<10240x128xf32, #tpu.memory_space<hbm>> -> memref<640x128xf32, #tpu.memory_space<hbm>>
      tpu.enqueue_dma source(%dma_start3A_58 : memref<640x128xf32, #tpu.memory_space<hbm>>) target(%dma_start3A_56 : memref<640x128xf32, #tpu.memory_space<vmem_shared>>) target_semaphore(%run_scoped3A : memref<!tpu.dma_semaphore, #tpu.memory_space<semaphore_mem>>)
      %dma_wait3A_59 = arith.constant 0 : i32
      %dma_wait3A_60 = tpu.memref_slice %arg8[%mul3A_4, %dma_wait3A_59] : memref<10240x128xf32, #tpu.memory_space<vmem_shared>> -> memref<640x128xf32, #tpu.memory_space<vmem_shared>>
      %dma_wait3A_61 = arith.constant 0 : i32
      %dma_wait3A_62 = tpu.memref_slice %arg4[%mul3A_2, %dma_wait3A_61] : memref<10240x128xf32, #tpu.memory_space<hbm>> -> memref<640x128xf32, #tpu.memory_space<hbm>>
      tpu.wait_dma2 semaphore(%run_scoped3A : memref<!tpu.dma_semaphore, #tpu.memory_space<semaphore_mem>>) src(%dma_wait3A_62 : memref<640x128xf32, #tpu.memory_space<hbm>>) dst(%dma_wait3A_60 : memref<640x128xf32, #tpu.memory_space<vmem_shared>>)
      tpu.yield
    }) : () -> ()
    %barrier3A = arith.constant 0 : index
    tpu.barrier barrier_id(%barrier3A)
    %dma_start3A = arith.constant 0 : i32
    %dma_start3A_5 = arith.constant 0 : i32
    %dma_start3A_6 = tpu.memref_slice %arg6[%dma_start3A, %dma_start3A_5] : memref<162x128xi32, #tpu.memory_space<vmem>> -> memref<1x64xi32, #tpu.memory_space<vmem>>
    %dma_start3A_7 = tpu.memref_squeeze %dma_start3A_6 : memref<1x64xi32, #tpu.memory_space<vmem>> -> memref<64xi32, #tpu.memory_space<vmem>>
    %dma_start3A_8 = arith.constant 0 : i32
    %dma_start3A_9 = arith.constant 0 : i32
    %dma_start3A_10 = tpu.memref_slice %arg8[%dma_start3A_8, %dma_start3A_9] : memref<10240x128xf32, #tpu.memory_space<vmem_shared>> -> memref<10240x128xf32, #tpu.memory_space<vmem_shared>>
    tpu.enqueue_indirect_dma source(%arg7 : memref<64x128xf32, #tpu.memory_space<vmem>>) target(%dma_start3A_10 : memref<10240x128xf32, #tpu.memory_space<vmem_shared>>) offsets(%dma_start3A_7 : memref<64xi32, #tpu.memory_space<vmem>>) semaphore(%arg9 : memref<!tpu.dma_semaphore, #tpu.memory_space<semaphore_mem>>) {add = true}
    %dma_start3A_11 = arith.constant 1 : i32
    %dma_start3A_12 = arith.constant 0 : i32
    %dma_start3A_13 = tpu.memref_slice %arg6[%dma_start3A_11, %dma_start3A_12] : memref<162x128xi32, #tpu.memory_space<vmem>> -> memref<1x64xi32, #tpu.memory_space<vmem>>
    %dma_start3A_14 = tpu.memref_squeeze %dma_start3A_13 : memref<1x64xi32, #tpu.memory_space<vmem>> -> memref<64xi32, #tpu.memory_space<vmem>>
    %dma_start3A_15 = arith.constant 0 : i32
    %dma_start3A_16 = arith.constant 0 : i32
    %dma_start3A_17 = tpu.memref_slice %arg8[%dma_start3A_15, %dma_start3A_16] : memref<10240x128xf32, #tpu.memory_space<vmem_shared>> -> memref<10240x128xf32, #tpu.memory_space<vmem_shared>>
    tpu.enqueue_indirect_dma source(%arg7 : memref<64x128xf32, #tpu.memory_space<vmem>>) target(%dma_start3A_17 : memref<10240x128xf32, #tpu.memory_space<vmem_shared>>) offsets(%dma_start3A_14 : memref<64xi32, #tpu.memory_space<vmem>>) semaphore(%arg10 : memref<!tpu.dma_semaphore, #tpu.memory_space<semaphore_mem>>) {add = true}
    %dma_start3A_18 = arith.constant 2 : i32
    %dma_start3A_19 = arith.constant 0 : i32
    %dma_start3A_20 = tpu.memref_slice %arg6[%dma_start3A_18, %dma_start3A_19] : memref<162x128xi32, #tpu.memory_space<vmem>> -> memref<1x64xi32, #tpu.memory_space<vmem>>
    %dma_start3A_21 = tpu.memref_squeeze %dma_start3A_20 : memref<1x64xi32, #tpu.memory_space<vmem>> -> memref<64xi32, #tpu.memory_space<vmem>>
    %dma_start3A_22 = arith.constant 0 : i32
    %dma_start3A_23 = arith.constant 0 : i32
    %dma_start3A_24 = tpu.memref_slice %arg8[%dma_start3A_22, %dma_start3A_23] : memref<10240x128xf32, #tpu.memory_space<vmem_shared>> -> memref<10240x128xf32, #tpu.memory_space<vmem_shared>>
    tpu.enqueue_indirect_dma source(%arg7 : memref<64x128xf32, #tpu.memory_space<vmem>>) target(%dma_start3A_24 : memref<10240x128xf32, #tpu.memory_space<vmem_shared>>) offsets(%dma_start3A_21 : memref<64xi32, #tpu.memory_space<vmem>>) semaphore(%arg11 : memref<!tpu.dma_semaphore, #tpu.memory_space<semaphore_mem>>) {add = true}
    %scan3A = arith.constant 0 : i32
    %scan3A_25 = arith.constant 1 : i32
    %scan3A_26 = arith.constant 53 : i32
    %scan3A_27 = arith.addi %scan3A_25, %scan3A_26 : i32
    %scan3A_28 = arith.constant 1 : i32
    scf.for %scan3A_55 = %scan3A_25 to %scan3A_27 step %scan3A_28  : i32 {
      %mul3A_56 = arith.constant 3 : i32
      %mul3A_57 = arith.muli %mul3A_56, %scan3A_55 : i32
      %add3A_58 = arith.constant 0 : i32
      %add3A_59 = arith.addi %mul3A_57, %add3A_58 : i32
      %sub3A = arith.constant 3 : i32
      %sub3A_60 = arith.subi %add3A_59, %sub3A : i32
      %dma_wait3A_61 = arith.constant 0 : i32
      %dma_wait3A_62 = tpu.memref_slice %arg6[%sub3A_60, %dma_wait3A_61] : memref<162x128xi32, #tpu.memory_space<vmem>> -> memref<1x64xi32, #tpu.memory_space<vmem>>
      %dma_wait3A_63 = tpu.memref_squeeze %dma_wait3A_62 : memref<1x64xi32, #tpu.memory_space<vmem>> -> memref<64xi32, #tpu.memory_space<vmem>>
      %dma_wait3A_64 = arith.constant 0 : i32
      %dma_wait3A_65 = arith.constant 0 : i32
      %dma_wait3A_66 = tpu.memref_slice %arg8[%dma_wait3A_64, %dma_wait3A_65] : memref<10240x128xf32, #tpu.memory_space<vmem_shared>> -> memref<10240x128xf32, #tpu.memory_space<vmem_shared>>
      tpu.wait_indirect_dma semaphore(%arg9 : memref<!tpu.dma_semaphore, #tpu.memory_space<semaphore_mem>>) src(%arg7 : memref<64x128xf32, #tpu.memory_space<vmem>>) dst(%dma_wait3A_66 : memref<10240x128xf32, #tpu.memory_space<vmem_shared>>)
      %dma_start3A_67 = arith.constant 0 : i32
      %dma_start3A_68 = tpu.memref_slice %arg6[%add3A_59, %dma_start3A_67] : memref<162x128xi32, #tpu.memory_space<vmem>> -> memref<1x64xi32, #tpu.memory_space<vmem>>
      %dma_start3A_69 = tpu.memref_squeeze %dma_start3A_68 : memref<1x64xi32, #tpu.memory_space<vmem>> -> memref<64xi32, #tpu.memory_space<vmem>>
      %dma_start3A_70 = arith.constant 0 : i32
      %dma_start3A_71 = arith.constant 0 : i32
      %dma_start3A_72 = tpu.memref_slice %arg8[%dma_start3A_70, %dma_start3A_71] : memref<10240x128xf32, #tpu.memory_space<vmem_shared>> -> memref<10240x128xf32, #tpu.memory_space<vmem_shared>>
      tpu.enqueue_indirect_dma source(%arg7 : memref<64x128xf32, #tpu.memory_space<vmem>>) target(%dma_start3A_72 : memref<10240x128xf32, #tpu.memory_space<vmem_shared>>) offsets(%dma_start3A_69 : memref<64xi32, #tpu.memory_space<vmem>>) semaphore(%arg9 : memref<!tpu.dma_semaphore, #tpu.memory_space<semaphore_mem>>) {add = true}
      %mul3A_73 = arith.constant 3 : i32
      %mul3A_74 = arith.muli %mul3A_73, %scan3A_55 : i32
      %add3A_75 = arith.constant 1 : i32
      %add3A_76 = arith.addi %mul3A_74, %add3A_75 : i32
      %sub3A_77 = arith.constant 3 : i32
      %sub3A_78 = arith.subi %add3A_76, %sub3A_77 : i32
      %dma_wait3A_79 = arith.constant 0 : i32
      %dma_wait3A_80 = tpu.memref_slice %arg6[%sub3A_78, %dma_wait3A_79] : memref<162x128xi32, #tpu.memory_space<vmem>> -> memref<1x64xi32, #tpu.memory_space<vmem>>
      %dma_wait3A_81 = tpu.memref_squeeze %dma_wait3A_80 : memref<1x64xi32, #tpu.memory_space<vmem>> -> memref<64xi32, #tpu.memory_space<vmem>>
      %dma_wait3A_82 = arith.constant 0 : i32
      %dma_wait3A_83 = arith.constant 0 : i32
      %dma_wait3A_84 = tpu.memref_slice %arg8[%dma_wait3A_82, %dma_wait3A_83] : memref<10240x128xf32, #tpu.memory_space<vmem_shared>> -> memref<10240x128xf32, #tpu.memory_space<vmem_shared>>
      tpu.wait_indirect_dma semaphore(%arg10 : memref<!tpu.dma_semaphore, #tpu.memory_space<semaphore_mem>>) src(%arg7 : memref<64x128xf32, #tpu.memory_space<vmem>>) dst(%dma_wait3A_84 : memref<10240x128xf32, #tpu.memory_space<vmem_shared>>)
      %dma_start3A_85 = arith.constant 0 : i32
      %dma_start3A_86 = tpu.memref_slice %arg6[%add3A_76, %dma_start3A_85] : memref<162x128xi32, #tpu.memory_space<vmem>> -> memref<1x64xi32, #tpu.memory_space<vmem>>
      %dma_start3A_87 = tpu.memref_squeeze %dma_start3A_86 : memref<1x64xi32, #tpu.memory_space<vmem>> -> memref<64xi32, #tpu.memory_space<vmem>>
      %dma_start3A_88 = arith.constant 0 : i32
      %dma_start3A_89 = arith.constant 0 : i32
      %dma_start3A_90 = tpu.memref_slice %arg8[%dma_start3A_88, %dma_start3A_89] : memref<10240x128xf32, #tpu.memory_space<vmem_shared>> -> memref<10240x128xf32, #tpu.memory_space<vmem_shared>>
      tpu.enqueue_indirect_dma source(%arg7 : memref<64x128xf32, #tpu.memory_space<vmem>>) target(%dma_start3A_90 : memref<10240x128xf32, #tpu.memory_space<vmem_shared>>) offsets(%dma_start3A_87 : memref<64xi32, #tpu.memory_space<vmem>>) semaphore(%arg10 : memref<!tpu.dma_semaphore, #tpu.memory_space<semaphore_mem>>) {add = true}
      %mul3A_91 = arith.constant 3 : i32
      %mul3A_92 = arith.muli %mul3A_91, %scan3A_55 : i32
      %add3A_93 = arith.constant 2 : i32
      %add3A_94 = arith.addi %mul3A_92, %add3A_93 : i32
      %sub3A_95 = arith.constant 3 : i32
      %sub3A_96 = arith.subi %add3A_94, %sub3A_95 : i32
      %dma_wait3A_97 = arith.constant 0 : i32
      %dma_wait3A_98 = tpu.memref_slice %arg6[%sub3A_96, %dma_wait3A_97] : memref<162x128xi32, #tpu.memory_space<vmem>> -> memref<1x64xi32, #tpu.memory_space<vmem>>
      %dma_wait3A_99 = tpu.memref_squeeze %dma_wait3A_98 : memref<1x64xi32, #tpu.memory_space<vmem>> -> memref<64xi32, #tpu.memory_space<vmem>>
      %dma_wait3A_100 = arith.constant 0 : i32
      %dma_wait3A_101 = arith.constant 0 : i32
      %dma_wait3A_102 = tpu.memref_slice %arg8[%dma_wait3A_100, %dma_wait3A_101] : memref<10240x128xf32, #tpu.memory_space<vmem_shared>> -> memref<10240x128xf32, #tpu.memory_space<vmem_shared>>
      tpu.wait_indirect_dma semaphore(%arg11 : memref<!tpu.dma_semaphore, #tpu.memory_space<semaphore_mem>>) src(%arg7 : memref<64x128xf32, #tpu.memory_space<vmem>>) dst(%dma_wait3A_102 : memref<10240x128xf32, #tpu.memory_space<vmem_shared>>)
      %dma_start3A_103 = arith.constant 0 : i32
      %dma_start3A_104 = tpu.memref_slice %arg6[%add3A_94, %dma_start3A_103] : memref<162x128xi32, #tpu.memory_space<vmem>> -> memref<1x64xi32, #tpu.memory_space<vmem>>
      %dma_start3A_105 = tpu.memref_squeeze %dma_start3A_104 : memref<1x64xi32, #tpu.memory_space<vmem>> -> memref<64xi32, #tpu.memory_space<vmem>>
      %dma_start3A_106 = arith.constant 0 : i32
      %dma_start3A_107 = arith.constant 0 : i32
      %dma_start3A_108 = tpu.memref_slice %arg8[%dma_start3A_106, %dma_start3A_107] : memref<10240x128xf32, #tpu.memory_space<vmem_shared>> -> memref<10240x128xf32, #tpu.memory_space<vmem_shared>>
      tpu.enqueue_indirect_dma source(%arg7 : memref<64x128xf32, #tpu.memory_space<vmem>>) target(%dma_start3A_108 : memref<10240x128xf32, #tpu.memory_space<vmem_shared>>) offsets(%dma_start3A_105 : memref<64xi32, #tpu.memory_space<vmem>>) semaphore(%arg11 : memref<!tpu.dma_semaphore, #tpu.memory_space<semaphore_mem>>) {add = true}
    }
    %scan3A_29 = arith.constant 53 : i32
    %dma_wait3A = arith.constant 159 : i32
    %dma_wait3A_30 = arith.constant 0 : i32
    %dma_wait3A_31 = tpu.memref_slice %arg6[%dma_wait3A, %dma_wait3A_30] : memref<162x128xi32, #tpu.memory_space<vmem>> -> memref<1x64xi32, #tpu.memory_space<vmem>>
    %dma_wait3A_32 = tpu.memref_squeeze %dma_wait3A_31 : memref<1x64xi32, #tpu.memory_space<vmem>> -> memref<64xi32, #tpu.memory_space<vmem>>
    %dma_wait3A_33 = arith.constant 0 : i32
    %dma_wait3A_34 = arith.constant 0 : i32
    %dma_wait3A_35 = tpu.memref_slice %arg8[%dma_wait3A_33, %dma_wait3A_34] : memref<10240x128xf32, #tpu.memory_space<vmem_shared>> -> memref<10240x128xf32, #tpu.memory_space<vmem_shared>>
    tpu.wait_indirect_dma semaphore(%arg9 : memref<!tpu.dma_semaphore, #tpu.memory_space<semaphore_mem>>) src(%arg7 : memref<64x128xf32, #tpu.memory_space<vmem>>) dst(%dma_wait3A_35 : memref<10240x128xf32, #tpu.memory_space<vmem_shared>>)
    %dma_wait3A_36 = arith.constant 160 : i32
    %dma_wait3A_37 = arith.constant 0 : i32
    %dma_wait3A_38 = tpu.memref_slice %arg6[%dma_wait3A_36, %dma_wait3A_37] : memref<162x128xi32, #tpu.memory_space<vmem>> -> memref<1x64xi32, #tpu.memory_space<vmem>>
    %dma_wait3A_39 = tpu.memref_squeeze %dma_wait3A_38 : memref<1x64xi32, #tpu.memory_space<vmem>> -> memref<64xi32, #tpu.memory_space<vmem>>
    %dma_wait3A_40 = arith.constant 0 : i32
    %dma_wait3A_41 = arith.constant 0 : i32
    %dma_wait3A_42 = tpu.memref_slice %arg8[%dma_wait3A_40, %dma_wait3A_41] : memref<10240x128xf32, #tpu.memory_space<vmem_shared>> -> memref<10240x128xf32, #tpu.memory_space<vmem_shared>>
    tpu.wait_indirect_dma semaphore(%arg10 : memref<!tpu.dma_semaphore, #tpu.memory_space<semaphore_mem>>) src(%arg7 : memref<64x128xf32, #tpu.memory_space<vmem>>) dst(%dma_wait3A_42 : memref<10240x128xf32, #tpu.memory_space<vmem_shared>>)
    %dma_wait3A_43 = arith.constant 161 : i32
    %dma_wait3A_44 = arith.constant 0 : i32
    %dma_wait3A_45 = tpu.memref_slice %arg6[%dma_wait3A_43, %dma_wait3A_44] : memref<162x128xi32, #tpu.memory_space<vmem>> -> memref<1x64xi32, #tpu.memory_space<vmem>>
    %dma_wait3A_46 = tpu.memref_squeeze %dma_wait3A_45 : memref<1x64xi32, #tpu.memory_space<vmem>> -> memref<64xi32, #tpu.memory_space<vmem>>
    %dma_wait3A_47 = arith.constant 0 : i32
    %dma_wait3A_48 = arith.constant 0 : i32
    %dma_wait3A_49 = tpu.memref_slice %arg8[%dma_wait3A_47, %dma_wait3A_48] : memref<10240x128xf32, #tpu.memory_space<vmem_shared>> -> memref<10240x128xf32, #tpu.memory_space<vmem_shared>>
    tpu.wait_indirect_dma semaphore(%arg11 : memref<!tpu.dma_semaphore, #tpu.memory_space<semaphore_mem>>) src(%arg7 : memref<64x128xf32, #tpu.memory_space<vmem>>) dst(%dma_wait3A_49 : memref<10240x128xf32, #tpu.memory_space<vmem_shared>>)
    %barrier3A_50 = arith.constant 0 : index
    tpu.barrier barrier_id(%barrier3A_50)
    %mul3A_51 = arith.constant 640 : i32
    %mul3A_52 = arith.muli %arg1, %mul3A_51 : i32
    %mul3A_53 = arith.constant 640 : i32
    %mul3A_54 = arith.muli %arg1, %mul3A_53 : i32
    "tpu.region"() ({
      %run_scoped3A = tpu.sem_alloc : memref<!tpu.dma_semaphore, #tpu.memory_space<semaphore_mem>>
      %dma_start3A_55 = arith.constant 0 : i32
      %dma_start3A_56 = tpu.memref_slice %arg5[%arg0, %mul3A_54, %dma_start3A_55] : memref<2x10240x128xf32, #tpu.memory_space<hbm>> -> memref<1x640x128xf32, #tpu.memory_space<hbm>>
      %dma_start3A_57 = tpu.memref_squeeze %dma_start3A_56 : memref<1x640x128xf32, #tpu.memory_space<hbm>> -> memref<640x128xf32, #tpu.memory_space<hbm>>
      %dma_start3A_58 = arith.constant 0 : i32
      %dma_start3A_59 = tpu.memref_slice %arg8[%mul3A_52, %dma_start3A_58] : memref<10240x128xf32, #tpu.memory_space<vmem_shared>> -> memref<640x128xf32, #tpu.memory_space<vmem_shared>>
      tpu.enqueue_dma source(%dma_start3A_59 : memref<640x128xf32, #tpu.memory_space<vmem_shared>>) target(%dma_start3A_57 : memref<640x128xf32, #tpu.memory_space<hbm>>) target_semaphore(%run_scoped3A : memref<!tpu.dma_semaphore, #tpu.memory_space<semaphore_mem>>)
      %dma_wait3A_60 = arith.constant 0 : i32
      %dma_wait3A_61 = tpu.memref_slice %arg5[%arg0, %mul3A_54, %dma_wait3A_60] : memref<2x10240x128xf32, #tpu.memory_space<hbm>> -> memref<1x640x128xf32, #tpu.memory_space<hbm>>
      %dma_wait3A_62 = tpu.memref_squeeze %dma_wait3A_61 : memref<1x640x128xf32, #tpu.memory_space<hbm>> -> memref<640x128xf32, #tpu.memory_space<hbm>>
      %dma_wait3A_63 = arith.constant 0 : i32
      %dma_wait3A_64 = tpu.memref_slice %arg8[%mul3A_52, %dma_wait3A_63] : memref<10240x128xf32, #tpu.memory_space<vmem_shared>> -> memref<640x128xf32, #tpu.memory_space<vmem_shared>>
      tpu.wait_dma2 semaphore(%run_scoped3A : memref<!tpu.dma_semaphore, #tpu.memory_space<semaphore_mem>>) src(%dma_wait3A_64 : memref<640x128xf32, #tpu.memory_space<vmem_shared>>) dst(%dma_wait3A_62 : memref<640x128xf32, #tpu.memory_space<hbm>>)
      tpu.yield
    }) : () -> ()
    return
  }
}

#map = affine_map<(d0, d1) -> (0, 0, 0)>
#map1 = affine_map<(d0, d1) -> (0, 0)>
module attributes {stable_mosaic.version = 14 : i64} {
  func.func @_agg_kernel(%arg0: i32, %arg1: i32, %arg2: memref<32x162x128xi32, #tpu.memory_space<hbm>>, %arg3: memref<10000x128xf32, #tpu.memory_space<hbm>>, %arg4: memref<10240x128xf32, #tpu.memory_space<hbm>>, %arg5: memref<2x10240x128xf32, #tpu.memory_space<hbm>>, %arg6: memref<162x128xi32, #tpu.memory_space<vmem>>, %arg7: memref<64x128xf32, #tpu.memory_space<vmem>>, %arg8: memref<64x128xf32, #tpu.memory_space<vmem>>, %arg9: memref<64x128xf32, #tpu.memory_space<vmem>>, %arg10: memref<10240x128xf32, #tpu.memory_space<vmem_shared>>, %arg11: memref<!tpu.dma_semaphore, #tpu.memory_space<semaphore_mem>>, %arg12: memref<!tpu.dma_semaphore, #tpu.memory_space<semaphore_mem>>, %arg13: memref<!tpu.dma_semaphore, #tpu.memory_space<semaphore_mem>>) attributes {dimension_semantics = [#tpu.dimension_semantics<core_parallel>, #tpu.dimension_semantics<subcore_parallel>], iteration_bounds = array<i64: 2, 16>, scalar_prefetch = 0 : i64, scratch_operands = 8 : i64, tpu.core_type = #tpu.core_type<sc_vector_subcore>, window_params = [{transform_indices = #map}, {transform_indices = #map1}, {transform_indices = #map1}, {transform_indices = #map}]} {
    %mul3A = arith.constant 16 : i32
    %mul3A_0 = arith.muli %arg0, %mul3A : i32
    %add3A = arith.addi %mul3A_0, %arg1 : i32
    "tpu.region"() ({
      %run_scoped3A_57 = tpu.sem_alloc : memref<!tpu.dma_semaphore, #tpu.memory_space<semaphore_mem>>
      %dma_start3A_58 = arith.constant 0 : i32
      %dma_start3A_59 = arith.constant 0 : i32
      %dma_start3A_60 = tpu.memref_slice %arg2[%add3A, %dma_start3A_58, %dma_start3A_59] : memref<32x162x128xi32, #tpu.memory_space<hbm>> -> memref<1x162x128xi32, #tpu.memory_space<hbm>>
      %dma_start3A_61 = tpu.memref_squeeze %dma_start3A_60 : memref<1x162x128xi32, #tpu.memory_space<hbm>> -> memref<162x128xi32, #tpu.memory_space<hbm>>
      %dma_start3A_62 = arith.constant 0 : i32
      %dma_start3A_63 = arith.constant 0 : i32
      %dma_start3A_64 = tpu.memref_slice %arg2[%add3A, %dma_start3A_62, %dma_start3A_63] : memref<32x162x128xi32, #tpu.memory_space<hbm>> -> memref<1x162x128xi32, #tpu.memory_space<hbm>>
      %dma_start3A_65 = tpu.memref_squeeze %dma_start3A_64 : memref<1x162x128xi32, #tpu.memory_space<hbm>> -> memref<162x128xi32, #tpu.memory_space<hbm>>
      tpu.enqueue_dma source(%dma_start3A_65 : memref<162x128xi32, #tpu.memory_space<hbm>>) target(%arg6 : memref<162x128xi32, #tpu.memory_space<vmem>>) target_semaphore(%run_scoped3A_57 : memref<!tpu.dma_semaphore, #tpu.memory_space<semaphore_mem>>)
      %dma_wait3A_66 = arith.constant 0 : i32
      %dma_wait3A_67 = arith.constant 0 : i32
      %dma_wait3A_68 = tpu.memref_slice %arg2[%add3A, %dma_wait3A_66, %dma_wait3A_67] : memref<32x162x128xi32, #tpu.memory_space<hbm>> -> memref<1x162x128xi32, #tpu.memory_space<hbm>>
      %dma_wait3A_69 = tpu.memref_squeeze %dma_wait3A_68 : memref<1x162x128xi32, #tpu.memory_space<hbm>> -> memref<162x128xi32, #tpu.memory_space<hbm>>
      %dma_wait3A_70 = arith.constant 0 : i32
      %dma_wait3A_71 = arith.constant 0 : i32
      %dma_wait3A_72 = tpu.memref_slice %arg2[%add3A, %dma_wait3A_70, %dma_wait3A_71] : memref<32x162x128xi32, #tpu.memory_space<hbm>> -> memref<1x162x128xi32, #tpu.memory_space<hbm>>
      %dma_wait3A_73 = tpu.memref_squeeze %dma_wait3A_72 : memref<1x162x128xi32, #tpu.memory_space<hbm>> -> memref<162x128xi32, #tpu.memory_space<hbm>>
      tpu.wait_dma2 semaphore(%run_scoped3A_57 : memref<!tpu.dma_semaphore, #tpu.memory_space<semaphore_mem>>) src(%dma_wait3A_73 : memref<162x128xi32, #tpu.memory_space<hbm>>) dst(%arg6 : memref<162x128xi32, #tpu.memory_space<vmem>>)
      tpu.yield
    }) : () -> ()
    %mul3A_1 = arith.constant 640 : i32
    %mul3A_2 = arith.muli %arg1, %mul3A_1 : i32
    %mul3A_3 = arith.constant 640 : i32
    %mul3A_4 = arith.muli %arg1, %mul3A_3 : i32
    "tpu.region"() ({
      %run_scoped3A_57 = tpu.sem_alloc : memref<!tpu.dma_semaphore, #tpu.memory_space<semaphore_mem>>
      %dma_start3A_58 = arith.constant 0 : i32
      %dma_start3A_59 = tpu.memref_slice %arg10[%mul3A_4, %dma_start3A_58] : memref<10240x128xf32, #tpu.memory_space<vmem_shared>> -> memref<640x128xf32, #tpu.memory_space<vmem_shared>>
      %dma_start3A_60 = arith.constant 0 : i32
      %dma_start3A_61 = tpu.memref_slice %arg4[%mul3A_2, %dma_start3A_60] : memref<10240x128xf32, #tpu.memory_space<hbm>> -> memref<640x128xf32, #tpu.memory_space<hbm>>
      tpu.enqueue_dma source(%dma_start3A_61 : memref<640x128xf32, #tpu.memory_space<hbm>>) target(%dma_start3A_59 : memref<640x128xf32, #tpu.memory_space<vmem_shared>>) target_semaphore(%run_scoped3A_57 : memref<!tpu.dma_semaphore, #tpu.memory_space<semaphore_mem>>)
      %dma_wait3A_62 = arith.constant 0 : i32
      %dma_wait3A_63 = tpu.memref_slice %arg10[%mul3A_4, %dma_wait3A_62] : memref<10240x128xf32, #tpu.memory_space<vmem_shared>> -> memref<640x128xf32, #tpu.memory_space<vmem_shared>>
      %dma_wait3A_64 = arith.constant 0 : i32
      %dma_wait3A_65 = tpu.memref_slice %arg4[%mul3A_2, %dma_wait3A_64] : memref<10240x128xf32, #tpu.memory_space<hbm>> -> memref<640x128xf32, #tpu.memory_space<hbm>>
      tpu.wait_dma2 semaphore(%run_scoped3A_57 : memref<!tpu.dma_semaphore, #tpu.memory_space<semaphore_mem>>) src(%dma_wait3A_65 : memref<640x128xf32, #tpu.memory_space<hbm>>) dst(%dma_wait3A_63 : memref<640x128xf32, #tpu.memory_space<vmem_shared>>)
      tpu.yield
    }) : () -> ()
    %barrier3A = arith.constant 0 : index
    tpu.barrier barrier_id(%barrier3A)
    %dma_start3A = arith.constant 0 : i32
    %dma_start3A_5 = arith.constant 64 : i32
    %dma_start3A_6 = tpu.memref_slice %arg6[%dma_start3A, %dma_start3A_5] : memref<162x128xi32, #tpu.memory_space<vmem>> -> memref<1x64xi32, #tpu.memory_space<vmem>>
    %dma_start3A_7 = tpu.memref_squeeze %dma_start3A_6 : memref<1x64xi32, #tpu.memory_space<vmem>> -> memref<64xi32, #tpu.memory_space<vmem>>
    %dma_start3A_8 = arith.constant 0 : i32
    %dma_start3A_9 = arith.constant 0 : i32
    %dma_start3A_10 = tpu.memref_slice %arg3[%dma_start3A_8, %dma_start3A_9] : memref<10000x128xf32, #tpu.memory_space<hbm>> -> memref<10000x128xf32, #tpu.memory_space<hbm>>
    tpu.enqueue_indirect_dma source(%dma_start3A_10 : memref<10000x128xf32, #tpu.memory_space<hbm>>) target(%arg7 : memref<64x128xf32, #tpu.memory_space<vmem>>) offsets(%dma_start3A_7 : memref<64xi32, #tpu.memory_space<vmem>>) semaphore(%arg11 : memref<!tpu.dma_semaphore, #tpu.memory_space<semaphore_mem>>)
    %dma_start3A_11 = arith.constant 1 : i32
    %dma_start3A_12 = arith.constant 64 : i32
    %dma_start3A_13 = tpu.memref_slice %arg6[%dma_start3A_11, %dma_start3A_12] : memref<162x128xi32, #tpu.memory_space<vmem>> -> memref<1x64xi32, #tpu.memory_space<vmem>>
    %dma_start3A_14 = tpu.memref_squeeze %dma_start3A_13 : memref<1x64xi32, #tpu.memory_space<vmem>> -> memref<64xi32, #tpu.memory_space<vmem>>
    %dma_start3A_15 = arith.constant 0 : i32
    %dma_start3A_16 = arith.constant 0 : i32
    %dma_start3A_17 = tpu.memref_slice %arg3[%dma_start3A_15, %dma_start3A_16] : memref<10000x128xf32, #tpu.memory_space<hbm>> -> memref<10000x128xf32, #tpu.memory_space<hbm>>
    tpu.enqueue_indirect_dma source(%dma_start3A_17 : memref<10000x128xf32, #tpu.memory_space<hbm>>) target(%arg8 : memref<64x128xf32, #tpu.memory_space<vmem>>) offsets(%dma_start3A_14 : memref<64xi32, #tpu.memory_space<vmem>>) semaphore(%arg12 : memref<!tpu.dma_semaphore, #tpu.memory_space<semaphore_mem>>)
    %dma_start3A_18 = arith.constant 2 : i32
    %dma_start3A_19 = arith.constant 64 : i32
    %dma_start3A_20 = tpu.memref_slice %arg6[%dma_start3A_18, %dma_start3A_19] : memref<162x128xi32, #tpu.memory_space<vmem>> -> memref<1x64xi32, #tpu.memory_space<vmem>>
    %dma_start3A_21 = tpu.memref_squeeze %dma_start3A_20 : memref<1x64xi32, #tpu.memory_space<vmem>> -> memref<64xi32, #tpu.memory_space<vmem>>
    %dma_start3A_22 = arith.constant 0 : i32
    %dma_start3A_23 = arith.constant 0 : i32
    %dma_start3A_24 = tpu.memref_slice %arg3[%dma_start3A_22, %dma_start3A_23] : memref<10000x128xf32, #tpu.memory_space<hbm>> -> memref<10000x128xf32, #tpu.memory_space<hbm>>
    tpu.enqueue_indirect_dma source(%dma_start3A_24 : memref<10000x128xf32, #tpu.memory_space<hbm>>) target(%arg9 : memref<64x128xf32, #tpu.memory_space<vmem>>) offsets(%dma_start3A_21 : memref<64xi32, #tpu.memory_space<vmem>>) semaphore(%arg13 : memref<!tpu.dma_semaphore, #tpu.memory_space<semaphore_mem>>)
    %scan3A = arith.constant 0 : i32
    %scan3A_25 = arith.constant 0 : i32
    %scan3A_26 = arith.constant 53 : i32
    %scan3A_27 = arith.addi %scan3A_25, %scan3A_26 : i32
    %scan3A_28 = arith.constant 1 : i32
    scf.for %scan3A_57 = %scan3A_25 to %scan3A_27 step %scan3A_28  : i32 {
      %mul3A_58 = arith.constant 3 : i32
      %mul3A_59 = arith.muli %mul3A_58, %scan3A_57 : i32
      %add3A_60 = arith.constant 0 : i32
      %add3A_61 = arith.addi %mul3A_59, %add3A_60 : i32
      %dma_wait3A_62 = arith.constant 64 : i32
      %dma_wait3A_63 = tpu.memref_slice %arg6[%add3A_61, %dma_wait3A_62] : memref<162x128xi32, #tpu.memory_space<vmem>> -> memref<1x64xi32, #tpu.memory_space<vmem>>
      %dma_wait3A_64 = tpu.memref_squeeze %dma_wait3A_63 : memref<1x64xi32, #tpu.memory_space<vmem>> -> memref<64xi32, #tpu.memory_space<vmem>>
      %dma_wait3A_65 = arith.constant 0 : i32
      %dma_wait3A_66 = arith.constant 0 : i32
      %dma_wait3A_67 = tpu.memref_slice %arg3[%dma_wait3A_65, %dma_wait3A_66] : memref<10000x128xf32, #tpu.memory_space<hbm>> -> memref<10000x128xf32, #tpu.memory_space<hbm>>
      tpu.wait_indirect_dma semaphore(%arg11 : memref<!tpu.dma_semaphore, #tpu.memory_space<semaphore_mem>>) src(%dma_wait3A_67 : memref<10000x128xf32, #tpu.memory_space<hbm>>) dst(%arg7 : memref<64x128xf32, #tpu.memory_space<vmem>>)
      "tpu.region"() ({
        %run_scoped3A_112 = tpu.sem_alloc : memref<!tpu.dma_semaphore, #tpu.memory_space<semaphore_mem>>
        %dma_start3A_113 = arith.constant 0 : i32
        %dma_start3A_114 = tpu.memref_slice %arg6[%add3A_61, %dma_start3A_113] : memref<162x128xi32, #tpu.memory_space<vmem>> -> memref<1x64xi32, #tpu.memory_space<vmem>>
        %dma_start3A_115 = tpu.memref_squeeze %dma_start3A_114 : memref<1x64xi32, #tpu.memory_space<vmem>> -> memref<64xi32, #tpu.memory_space<vmem>>
        %dma_start3A_116 = arith.constant 0 : i32
        %dma_start3A_117 = arith.constant 0 : i32
        %dma_start3A_118 = tpu.memref_slice %arg10[%dma_start3A_116, %dma_start3A_117] : memref<10240x128xf32, #tpu.memory_space<vmem_shared>> -> memref<10240x128xf32, #tpu.memory_space<vmem_shared>>
        tpu.enqueue_indirect_dma source(%arg7 : memref<64x128xf32, #tpu.memory_space<vmem>>) target(%dma_start3A_118 : memref<10240x128xf32, #tpu.memory_space<vmem_shared>>) offsets(%dma_start3A_115 : memref<64xi32, #tpu.memory_space<vmem>>) semaphore(%run_scoped3A_112 : memref<!tpu.dma_semaphore, #tpu.memory_space<semaphore_mem>>) {add = true}
        %dma_wait3A_119 = arith.constant 0 : i32
        %dma_wait3A_120 = tpu.memref_slice %arg6[%add3A_61, %dma_wait3A_119] : memref<162x128xi32, #tpu.memory_space<vmem>> -> memref<1x64xi32, #tpu.memory_space<vmem>>
        %dma_wait3A_121 = tpu.memref_squeeze %dma_wait3A_120 : memref<1x64xi32, #tpu.memory_space<vmem>> -> memref<64xi32, #tpu.memory_space<vmem>>
        %dma_wait3A_122 = arith.constant 0 : i32
        %dma_wait3A_123 = arith.constant 0 : i32
        %dma_wait3A_124 = tpu.memref_slice %arg10[%dma_wait3A_122, %dma_wait3A_123] : memref<10240x128xf32, #tpu.memory_space<vmem_shared>> -> memref<10240x128xf32, #tpu.memory_space<vmem_shared>>
        tpu.wait_indirect_dma semaphore(%run_scoped3A_112 : memref<!tpu.dma_semaphore, #tpu.memory_space<semaphore_mem>>) src(%arg7 : memref<64x128xf32, #tpu.memory_space<vmem>>) dst(%dma_wait3A_124 : memref<10240x128xf32, #tpu.memory_space<vmem_shared>>)
        tpu.yield
      }) : () -> ()
      %add3A_68 = arith.constant 3 : i32
      %add3A_69 = arith.addi %add3A_61, %add3A_68 : i32
      %dma_start3A_70 = arith.constant 64 : i32
      %dma_start3A_71 = tpu.memref_slice %arg6[%add3A_69, %dma_start3A_70] : memref<162x128xi32, #tpu.memory_space<vmem>> -> memref<1x64xi32, #tpu.memory_space<vmem>>
      %dma_start3A_72 = tpu.memref_squeeze %dma_start3A_71 : memref<1x64xi32, #tpu.memory_space<vmem>> -> memref<64xi32, #tpu.memory_space<vmem>>
      %dma_start3A_73 = arith.constant 0 : i32
      %dma_start3A_74 = arith.constant 0 : i32
      %dma_start3A_75 = tpu.memref_slice %arg3[%dma_start3A_73, %dma_start3A_74] : memref<10000x128xf32, #tpu.memory_space<hbm>> -> memref<10000x128xf32, #tpu.memory_space<hbm>>
      tpu.enqueue_indirect_dma source(%dma_start3A_75 : memref<10000x128xf32, #tpu.memory_space<hbm>>) target(%arg7 : memref<64x128xf32, #tpu.memory_space<vmem>>) offsets(%dma_start3A_72 : memref<64xi32, #tpu.memory_space<vmem>>) semaphore(%arg11 : memref<!tpu.dma_semaphore, #tpu.memory_space<semaphore_mem>>)
      %mul3A_76 = arith.constant 3 : i32
      %mul3A_77 = arith.muli %mul3A_76, %scan3A_57 : i32
      %add3A_78 = arith.constant 1 : i32
      %add3A_79 = arith.addi %mul3A_77, %add3A_78 : i32
      %dma_wait3A_80 = arith.constant 64 : i32
      %dma_wait3A_81 = tpu.memref_slice %arg6[%add3A_79, %dma_wait3A_80] : memref<162x128xi32, #tpu.memory_space<vmem>> -> memref<1x64xi32, #tpu.memory_space<vmem>>
      %dma_wait3A_82 = tpu.memref_squeeze %dma_wait3A_81 : memref<1x64xi32, #tpu.memory_space<vmem>> -> memref<64xi32, #tpu.memory_space<vmem>>
      %dma_wait3A_83 = arith.constant 0 : i32
      %dma_wait3A_84 = arith.constant 0 : i32
      %dma_wait3A_85 = tpu.memref_slice %arg3[%dma_wait3A_83, %dma_wait3A_84] : memref<10000x128xf32, #tpu.memory_space<hbm>> -> memref<10000x128xf32, #tpu.memory_space<hbm>>
      tpu.wait_indirect_dma semaphore(%arg12 : memref<!tpu.dma_semaphore, #tpu.memory_space<semaphore_mem>>) src(%dma_wait3A_85 : memref<10000x128xf32, #tpu.memory_space<hbm>>) dst(%arg8 : memref<64x128xf32, #tpu.memory_space<vmem>>)
      "tpu.region"() ({
        %run_scoped3A_112 = tpu.sem_alloc : memref<!tpu.dma_semaphore, #tpu.memory_space<semaphore_mem>>
        %dma_start3A_113 = arith.constant 0 : i32
        %dma_start3A_114 = tpu.memref_slice %arg6[%add3A_79, %dma_start3A_113] : memref<162x128xi32, #tpu.memory_space<vmem>> -> memref<1x64xi32, #tpu.memory_space<vmem>>
        %dma_start3A_115 = tpu.memref_squeeze %dma_start3A_114 : memref<1x64xi32, #tpu.memory_space<vmem>> -> memref<64xi32, #tpu.memory_space<vmem>>
        %dma_start3A_116 = arith.constant 0 : i32
        %dma_start3A_117 = arith.constant 0 : i32
        %dma_start3A_118 = tpu.memref_slice %arg10[%dma_start3A_116, %dma_start3A_117] : memref<10240x128xf32, #tpu.memory_space<vmem_shared>> -> memref<10240x128xf32, #tpu.memory_space<vmem_shared>>
        tpu.enqueue_indirect_dma source(%arg8 : memref<64x128xf32, #tpu.memory_space<vmem>>) target(%dma_start3A_118 : memref<10240x128xf32, #tpu.memory_space<vmem_shared>>) offsets(%dma_start3A_115 : memref<64xi32, #tpu.memory_space<vmem>>) semaphore(%run_scoped3A_112 : memref<!tpu.dma_semaphore, #tpu.memory_space<semaphore_mem>>) {add = true}
        %dma_wait3A_119 = arith.constant 0 : i32
        %dma_wait3A_120 = tpu.memref_slice %arg6[%add3A_79, %dma_wait3A_119] : memref<162x128xi32, #tpu.memory_space<vmem>> -> memref<1x64xi32, #tpu.memory_space<vmem>>
        %dma_wait3A_121 = tpu.memref_squeeze %dma_wait3A_120 : memref<1x64xi32, #tpu.memory_space<vmem>> -> memref<64xi32, #tpu.memory_space<vmem>>
        %dma_wait3A_122 = arith.constant 0 : i32
        %dma_wait3A_123 = arith.constant 0 : i32
        %dma_wait3A_124 = tpu.memref_slice %arg10[%dma_wait3A_122, %dma_wait3A_123] : memref<10240x128xf32, #tpu.memory_space<vmem_shared>> -> memref<10240x128xf32, #tpu.memory_space<vmem_shared>>
        tpu.wait_indirect_dma semaphore(%run_scoped3A_112 : memref<!tpu.dma_semaphore, #tpu.memory_space<semaphore_mem>>) src(%arg8 : memref<64x128xf32, #tpu.memory_space<vmem>>) dst(%dma_wait3A_124 : memref<10240x128xf32, #tpu.memory_space<vmem_shared>>)
        tpu.yield
      }) : () -> ()
      %add3A_86 = arith.constant 3 : i32
      %add3A_87 = arith.addi %add3A_79, %add3A_86 : i32
      %dma_start3A_88 = arith.constant 64 : i32
      %dma_start3A_89 = tpu.memref_slice %arg6[%add3A_87, %dma_start3A_88] : memref<162x128xi32, #tpu.memory_space<vmem>> -> memref<1x64xi32, #tpu.memory_space<vmem>>
      %dma_start3A_90 = tpu.memref_squeeze %dma_start3A_89 : memref<1x64xi32, #tpu.memory_space<vmem>> -> memref<64xi32, #tpu.memory_space<vmem>>
      %dma_start3A_91 = arith.constant 0 : i32
      %dma_start3A_92 = arith.constant 0 : i32
      %dma_start3A_93 = tpu.memref_slice %arg3[%dma_start3A_91, %dma_start3A_92] : memref<10000x128xf32, #tpu.memory_space<hbm>> -> memref<10000x128xf32, #tpu.memory_space<hbm>>
      tpu.enqueue_indirect_dma source(%dma_start3A_93 : memref<10000x128xf32, #tpu.memory_space<hbm>>) target(%arg8 : memref<64x128xf32, #tpu.memory_space<vmem>>) offsets(%dma_start3A_90 : memref<64xi32, #tpu.memory_space<vmem>>) semaphore(%arg12 : memref<!tpu.dma_semaphore, #tpu.memory_space<semaphore_mem>>)
      %mul3A_94 = arith.constant 3 : i32
      %mul3A_95 = arith.muli %mul3A_94, %scan3A_57 : i32
      %add3A_96 = arith.constant 2 : i32
      %add3A_97 = arith.addi %mul3A_95, %add3A_96 : i32
      %dma_wait3A_98 = arith.constant 64 : i32
      %dma_wait3A_99 = tpu.memref_slice %arg6[%add3A_97, %dma_wait3A_98] : memref<162x128xi32, #tpu.memory_space<vmem>> -> memref<1x64xi32, #tpu.memory_space<vmem>>
      %dma_wait3A_100 = tpu.memref_squeeze %dma_wait3A_99 : memref<1x64xi32, #tpu.memory_space<vmem>> -> memref<64xi32, #tpu.memory_space<vmem>>
      %dma_wait3A_101 = arith.constant 0 : i32
      %dma_wait3A_102 = arith.constant 0 : i32
      %dma_wait3A_103 = tpu.memref_slice %arg3[%dma_wait3A_101, %dma_wait3A_102] : memref<10000x128xf32, #tpu.memory_space<hbm>> -> memref<10000x128xf32, #tpu.memory_space<hbm>>
      tpu.wait_indirect_dma semaphore(%arg13 : memref<!tpu.dma_semaphore, #tpu.memory_space<semaphore_mem>>) src(%dma_wait3A_103 : memref<10000x128xf32, #tpu.memory_space<hbm>>) dst(%arg9 : memref<64x128xf32, #tpu.memory_space<vmem>>)
      "tpu.region"() ({
        %run_scoped3A_112 = tpu.sem_alloc : memref<!tpu.dma_semaphore, #tpu.memory_space<semaphore_mem>>
        %dma_start3A_113 = arith.constant 0 : i32
        %dma_start3A_114 = tpu.memref_slice %arg6[%add3A_97, %dma_start3A_113] : memref<162x128xi32, #tpu.memory_space<vmem>> -> memref<1x64xi32, #tpu.memory_space<vmem>>
        %dma_start3A_115 = tpu.memref_squeeze %dma_start3A_114 : memref<1x64xi32, #tpu.memory_space<vmem>> -> memref<64xi32, #tpu.memory_space<vmem>>
        %dma_start3A_116 = arith.constant 0 : i32
        %dma_start3A_117 = arith.constant 0 : i32
        %dma_start3A_118 = tpu.memref_slice %arg10[%dma_start3A_116, %dma_start3A_117] : memref<10240x128xf32, #tpu.memory_space<vmem_shared>> -> memref<10240x128xf32, #tpu.memory_space<vmem_shared>>
        tpu.enqueue_indirect_dma source(%arg9 : memref<64x128xf32, #tpu.memory_space<vmem>>) target(%dma_start3A_118 : memref<10240x128xf32, #tpu.memory_space<vmem_shared>>) offsets(%dma_start3A_115 : memref<64xi32, #tpu.memory_space<vmem>>) semaphore(%run_scoped3A_112 : memref<!tpu.dma_semaphore, #tpu.memory_space<semaphore_mem>>) {add = true}
        %dma_wait3A_119 = arith.constant 0 : i32
        %dma_wait3A_120 = tpu.memref_slice %arg6[%add3A_97, %dma_wait3A_119] : memref<162x128xi32, #tpu.memory_space<vmem>> -> memref<1x64xi32, #tpu.memory_space<vmem>>
        %dma_wait3A_121 = tpu.memref_squeeze %dma_wait3A_120 : memref<1x64xi32, #tpu.memory_space<vmem>> -> memref<64xi32, #tpu.memory_space<vmem>>
        %dma_wait3A_122 = arith.constant 0 : i32
        %dma_wait3A_123 = arith.constant 0 : i32
        %dma_wait3A_124 = tpu.memref_slice %arg10[%dma_wait3A_122, %dma_wait3A_123] : memref<10240x128xf32, #tpu.memory_space<vmem_shared>> -> memref<10240x128xf32, #tpu.memory_space<vmem_shared>>
        tpu.wait_indirect_dma semaphore(%run_scoped3A_112 : memref<!tpu.dma_semaphore, #tpu.memory_space<semaphore_mem>>) src(%arg9 : memref<64x128xf32, #tpu.memory_space<vmem>>) dst(%dma_wait3A_124 : memref<10240x128xf32, #tpu.memory_space<vmem_shared>>)
        tpu.yield
      }) : () -> ()
      %add3A_104 = arith.constant 3 : i32
      %add3A_105 = arith.addi %add3A_97, %add3A_104 : i32
      %dma_start3A_106 = arith.constant 64 : i32
      %dma_start3A_107 = tpu.memref_slice %arg6[%add3A_105, %dma_start3A_106] : memref<162x128xi32, #tpu.memory_space<vmem>> -> memref<1x64xi32, #tpu.memory_space<vmem>>
      %dma_start3A_108 = tpu.memref_squeeze %dma_start3A_107 : memref<1x64xi32, #tpu.memory_space<vmem>> -> memref<64xi32, #tpu.memory_space<vmem>>
      %dma_start3A_109 = arith.constant 0 : i32
      %dma_start3A_110 = arith.constant 0 : i32
      %dma_start3A_111 = tpu.memref_slice %arg3[%dma_start3A_109, %dma_start3A_110] : memref<10000x128xf32, #tpu.memory_space<hbm>> -> memref<10000x128xf32, #tpu.memory_space<hbm>>
      tpu.enqueue_indirect_dma source(%dma_start3A_111 : memref<10000x128xf32, #tpu.memory_space<hbm>>) target(%arg9 : memref<64x128xf32, #tpu.memory_space<vmem>>) offsets(%dma_start3A_108 : memref<64xi32, #tpu.memory_space<vmem>>) semaphore(%arg13 : memref<!tpu.dma_semaphore, #tpu.memory_space<semaphore_mem>>)
    }
    %scan3A_29 = arith.constant 53 : i32
    %dma_wait3A = arith.constant 159 : i32
    %dma_wait3A_30 = arith.constant 64 : i32
    %dma_wait3A_31 = tpu.memref_slice %arg6[%dma_wait3A, %dma_wait3A_30] : memref<162x128xi32, #tpu.memory_space<vmem>> -> memref<1x64xi32, #tpu.memory_space<vmem>>
    %dma_wait3A_32 = tpu.memref_squeeze %dma_wait3A_31 : memref<1x64xi32, #tpu.memory_space<vmem>> -> memref<64xi32, #tpu.memory_space<vmem>>
    %dma_wait3A_33 = arith.constant 0 : i32
    %dma_wait3A_34 = arith.constant 0 : i32
    %dma_wait3A_35 = tpu.memref_slice %arg3[%dma_wait3A_33, %dma_wait3A_34] : memref<10000x128xf32, #tpu.memory_space<hbm>> -> memref<10000x128xf32, #tpu.memory_space<hbm>>
    tpu.wait_indirect_dma semaphore(%arg11 : memref<!tpu.dma_semaphore, #tpu.memory_space<semaphore_mem>>) src(%dma_wait3A_35 : memref<10000x128xf32, #tpu.memory_space<hbm>>) dst(%arg7 : memref<64x128xf32, #tpu.memory_space<vmem>>)
    %run_scoped3A = arith.constant 159 : i32
    "tpu.region"() ({
      %run_scoped3A_57 = tpu.sem_alloc : memref<!tpu.dma_semaphore, #tpu.memory_space<semaphore_mem>>
      %dma_start3A_58 = arith.constant 0 : i32
      %dma_start3A_59 = tpu.memref_slice %arg6[%run_scoped3A, %dma_start3A_58] : memref<162x128xi32, #tpu.memory_space<vmem>> -> memref<1x64xi32, #tpu.memory_space<vmem>>
      %dma_start3A_60 = tpu.memref_squeeze %dma_start3A_59 : memref<1x64xi32, #tpu.memory_space<vmem>> -> memref<64xi32, #tpu.memory_space<vmem>>
      %dma_start3A_61 = arith.constant 0 : i32
      %dma_start3A_62 = arith.constant 0 : i32
      %dma_start3A_63 = tpu.memref_slice %arg10[%dma_start3A_61, %dma_start3A_62] : memref<10240x128xf32, #tpu.memory_space<vmem_shared>> -> memref<10240x128xf32, #tpu.memory_space<vmem_shared>>
      tpu.enqueue_indirect_dma source(%arg7 : memref<64x128xf32, #tpu.memory_space<vmem>>) target(%dma_start3A_63 : memref<10240x128xf32, #tpu.memory_space<vmem_shared>>) offsets(%dma_start3A_60 : memref<64xi32, #tpu.memory_space<vmem>>) semaphore(%run_scoped3A_57 : memref<!tpu.dma_semaphore, #tpu.memory_space<semaphore_mem>>) {add = true}
      %dma_wait3A_64 = arith.constant 0 : i32
      %dma_wait3A_65 = tpu.memref_slice %arg6[%run_scoped3A, %dma_wait3A_64] : memref<162x128xi32, #tpu.memory_space<vmem>> -> memref<1x64xi32, #tpu.memory_space<vmem>>
      %dma_wait3A_66 = tpu.memref_squeeze %dma_wait3A_65 : memref<1x64xi32, #tpu.memory_space<vmem>> -> memref<64xi32, #tpu.memory_space<vmem>>
      %dma_wait3A_67 = arith.constant 0 : i32
      %dma_wait3A_68 = arith.constant 0 : i32
      %dma_wait3A_69 = tpu.memref_slice %arg10[%dma_wait3A_67, %dma_wait3A_68] : memref<10240x128xf32, #tpu.memory_space<vmem_shared>> -> memref<10240x128xf32, #tpu.memory_space<vmem_shared>>
      tpu.wait_indirect_dma semaphore(%run_scoped3A_57 : memref<!tpu.dma_semaphore, #tpu.memory_space<semaphore_mem>>) src(%arg7 : memref<64x128xf32, #tpu.memory_space<vmem>>) dst(%dma_wait3A_69 : memref<10240x128xf32, #tpu.memory_space<vmem_shared>>)
      tpu.yield
    }) : () -> ()
    %dma_wait3A_36 = arith.constant 160 : i32
    %dma_wait3A_37 = arith.constant 64 : i32
    %dma_wait3A_38 = tpu.memref_slice %arg6[%dma_wait3A_36, %dma_wait3A_37] : memref<162x128xi32, #tpu.memory_space<vmem>> -> memref<1x64xi32, #tpu.memory_space<vmem>>
    %dma_wait3A_39 = tpu.memref_squeeze %dma_wait3A_38 : memref<1x64xi32, #tpu.memory_space<vmem>> -> memref<64xi32, #tpu.memory_space<vmem>>
    %dma_wait3A_40 = arith.constant 0 : i32
    %dma_wait3A_41 = arith.constant 0 : i32
    %dma_wait3A_42 = tpu.memref_slice %arg3[%dma_wait3A_40, %dma_wait3A_41] : memref<10000x128xf32, #tpu.memory_space<hbm>> -> memref<10000x128xf32, #tpu.memory_space<hbm>>
    tpu.wait_indirect_dma semaphore(%arg12 : memref<!tpu.dma_semaphore, #tpu.memory_space<semaphore_mem>>) src(%dma_wait3A_42 : memref<10000x128xf32, #tpu.memory_space<hbm>>) dst(%arg8 : memref<64x128xf32, #tpu.memory_space<vmem>>)
    %run_scoped3A_43 = arith.constant 160 : i32
    "tpu.region"() ({
      %run_scoped3A_57 = tpu.sem_alloc : memref<!tpu.dma_semaphore, #tpu.memory_space<semaphore_mem>>
      %dma_start3A_58 = arith.constant 0 : i32
      %dma_start3A_59 = tpu.memref_slice %arg6[%run_scoped3A_43, %dma_start3A_58] : memref<162x128xi32, #tpu.memory_space<vmem>> -> memref<1x64xi32, #tpu.memory_space<vmem>>
      %dma_start3A_60 = tpu.memref_squeeze %dma_start3A_59 : memref<1x64xi32, #tpu.memory_space<vmem>> -> memref<64xi32, #tpu.memory_space<vmem>>
      %dma_start3A_61 = arith.constant 0 : i32
      %dma_start3A_62 = arith.constant 0 : i32
      %dma_start3A_63 = tpu.memref_slice %arg10[%dma_start3A_61, %dma_start3A_62] : memref<10240x128xf32, #tpu.memory_space<vmem_shared>> -> memref<10240x128xf32, #tpu.memory_space<vmem_shared>>
      tpu.enqueue_indirect_dma source(%arg8 : memref<64x128xf32, #tpu.memory_space<vmem>>) target(%dma_start3A_63 : memref<10240x128xf32, #tpu.memory_space<vmem_shared>>) offsets(%dma_start3A_60 : memref<64xi32, #tpu.memory_space<vmem>>) semaphore(%run_scoped3A_57 : memref<!tpu.dma_semaphore, #tpu.memory_space<semaphore_mem>>) {add = true}
      %dma_wait3A_64 = arith.constant 0 : i32
      %dma_wait3A_65 = tpu.memref_slice %arg6[%run_scoped3A_43, %dma_wait3A_64] : memref<162x128xi32, #tpu.memory_space<vmem>> -> memref<1x64xi32, #tpu.memory_space<vmem>>
      %dma_wait3A_66 = tpu.memref_squeeze %dma_wait3A_65 : memref<1x64xi32, #tpu.memory_space<vmem>> -> memref<64xi32, #tpu.memory_space<vmem>>
      %dma_wait3A_67 = arith.constant 0 : i32
      %dma_wait3A_68 = arith.constant 0 : i32
      %dma_wait3A_69 = tpu.memref_slice %arg10[%dma_wait3A_67, %dma_wait3A_68] : memref<10240x128xf32, #tpu.memory_space<vmem_shared>> -> memref<10240x128xf32, #tpu.memory_space<vmem_shared>>
      tpu.wait_indirect_dma semaphore(%run_scoped3A_57 : memref<!tpu.dma_semaphore, #tpu.memory_space<semaphore_mem>>) src(%arg8 : memref<64x128xf32, #tpu.memory_space<vmem>>) dst(%dma_wait3A_69 : memref<10240x128xf32, #tpu.memory_space<vmem_shared>>)
      tpu.yield
    }) : () -> ()
    %dma_wait3A_44 = arith.constant 161 : i32
    %dma_wait3A_45 = arith.constant 64 : i32
    %dma_wait3A_46 = tpu.memref_slice %arg6[%dma_wait3A_44, %dma_wait3A_45] : memref<162x128xi32, #tpu.memory_space<vmem>> -> memref<1x64xi32, #tpu.memory_space<vmem>>
    %dma_wait3A_47 = tpu.memref_squeeze %dma_wait3A_46 : memref<1x64xi32, #tpu.memory_space<vmem>> -> memref<64xi32, #tpu.memory_space<vmem>>
    %dma_wait3A_48 = arith.constant 0 : i32
    %dma_wait3A_49 = arith.constant 0 : i32
    %dma_wait3A_50 = tpu.memref_slice %arg3[%dma_wait3A_48, %dma_wait3A_49] : memref<10000x128xf32, #tpu.memory_space<hbm>> -> memref<10000x128xf32, #tpu.memory_space<hbm>>
    tpu.wait_indirect_dma semaphore(%arg13 : memref<!tpu.dma_semaphore, #tpu.memory_space<semaphore_mem>>) src(%dma_wait3A_50 : memref<10000x128xf32, #tpu.memory_space<hbm>>) dst(%arg9 : memref<64x128xf32, #tpu.memory_space<vmem>>)
    %run_scoped3A_51 = arith.constant 161 : i32
    "tpu.region"() ({
      %run_scoped3A_57 = tpu.sem_alloc : memref<!tpu.dma_semaphore, #tpu.memory_space<semaphore_mem>>
      %dma_start3A_58 = arith.constant 0 : i32
      %dma_start3A_59 = tpu.memref_slice %arg6[%run_scoped3A_51, %dma_start3A_58] : memref<162x128xi32, #tpu.memory_space<vmem>> -> memref<1x64xi32, #tpu.memory_space<vmem>>
      %dma_start3A_60 = tpu.memref_squeeze %dma_start3A_59 : memref<1x64xi32, #tpu.memory_space<vmem>> -> memref<64xi32, #tpu.memory_space<vmem>>
      %dma_start3A_61 = arith.constant 0 : i32
      %dma_start3A_62 = arith.constant 0 : i32
      %dma_start3A_63 = tpu.memref_slice %arg10[%dma_start3A_61, %dma_start3A_62] : memref<10240x128xf32, #tpu.memory_space<vmem_shared>> -> memref<10240x128xf32, #tpu.memory_space<vmem_shared>>
      tpu.enqueue_indirect_dma source(%arg9 : memref<64x128xf32, #tpu.memory_space<vmem>>) target(%dma_start3A_63 : memref<10240x128xf32, #tpu.memory_space<vmem_shared>>) offsets(%dma_start3A_60 : memref<64xi32, #tpu.memory_space<vmem>>) semaphore(%run_scoped3A_57 : memref<!tpu.dma_semaphore, #tpu.memory_space<semaphore_mem>>) {add = true}
      %dma_wait3A_64 = arith.constant 0 : i32
      %dma_wait3A_65 = tpu.memref_slice %arg6[%run_scoped3A_51, %dma_wait3A_64] : memref<162x128xi32, #tpu.memory_space<vmem>> -> memref<1x64xi32, #tpu.memory_space<vmem>>
      %dma_wait3A_66 = tpu.memref_squeeze %dma_wait3A_65 : memref<1x64xi32, #tpu.memory_space<vmem>> -> memref<64xi32, #tpu.memory_space<vmem>>
      %dma_wait3A_67 = arith.constant 0 : i32
      %dma_wait3A_68 = arith.constant 0 : i32
      %dma_wait3A_69 = tpu.memref_slice %arg10[%dma_wait3A_67, %dma_wait3A_68] : memref<10240x128xf32, #tpu.memory_space<vmem_shared>> -> memref<10240x128xf32, #tpu.memory_space<vmem_shared>>
      tpu.wait_indirect_dma semaphore(%run_scoped3A_57 : memref<!tpu.dma_semaphore, #tpu.memory_space<semaphore_mem>>) src(%arg9 : memref<64x128xf32, #tpu.memory_space<vmem>>) dst(%dma_wait3A_69 : memref<10240x128xf32, #tpu.memory_space<vmem_shared>>)
      tpu.yield
    }) : () -> ()
    %barrier3A_52 = arith.constant 0 : index
    tpu.barrier barrier_id(%barrier3A_52)
    %mul3A_53 = arith.constant 640 : i32
    %mul3A_54 = arith.muli %arg1, %mul3A_53 : i32
    %mul3A_55 = arith.constant 640 : i32
    %mul3A_56 = arith.muli %arg1, %mul3A_55 : i32
    "tpu.region"() ({
      %run_scoped3A_57 = tpu.sem_alloc : memref<!tpu.dma_semaphore, #tpu.memory_space<semaphore_mem>>
      %dma_start3A_58 = arith.constant 0 : i32
      %dma_start3A_59 = tpu.memref_slice %arg5[%arg0, %mul3A_56, %dma_start3A_58] : memref<2x10240x128xf32, #tpu.memory_space<hbm>> -> memref<1x640x128xf32, #tpu.memory_space<hbm>>
      %dma_start3A_60 = tpu.memref_squeeze %dma_start3A_59 : memref<1x640x128xf32, #tpu.memory_space<hbm>> -> memref<640x128xf32, #tpu.memory_space<hbm>>
      %dma_start3A_61 = arith.constant 0 : i32
      %dma_start3A_62 = tpu.memref_slice %arg10[%mul3A_54, %dma_start3A_61] : memref<10240x128xf32, #tpu.memory_space<vmem_shared>> -> memref<640x128xf32, #tpu.memory_space<vmem_shared>>
      tpu.enqueue_dma source(%dma_start3A_62 : memref<640x128xf32, #tpu.memory_space<vmem_shared>>) target(%dma_start3A_60 : memref<640x128xf32, #tpu.memory_space<hbm>>) target_semaphore(%run_scoped3A_57 : memref<!tpu.dma_semaphore, #tpu.memory_space<semaphore_mem>>)
      %dma_wait3A_63 = arith.constant 0 : i32
      %dma_wait3A_64 = tpu.memref_slice %arg5[%arg0, %mul3A_56, %dma_wait3A_63] : memref<2x10240x128xf32, #tpu.memory_space<hbm>> -> memref<1x640x128xf32, #tpu.memory_space<hbm>>
      %dma_wait3A_65 = tpu.memref_squeeze %dma_wait3A_64 : memref<1x640x128xf32, #tpu.memory_space<hbm>> -> memref<640x128xf32, #tpu.memory_space<hbm>>
      %dma_wait3A_66 = arith.constant 0 : i32
      %dma_wait3A_67 = tpu.memref_slice %arg10[%mul3A_54, %dma_wait3A_66] : memref<10240x128xf32, #tpu.memory_space<vmem_shared>> -> memref<640x128xf32, #tpu.memory_space<vmem_shared>>
      tpu.wait_dma2 semaphore(%run_scoped3A_57 : memref<!tpu.dma_semaphore, #tpu.memory_space<semaphore_mem>>) src(%dma_wait3A_67 : memref<640x128xf32, #tpu.memory_space<vmem_shared>>) dst(%dma_wait3A_65 : memref<640x128xf32, #tpu.memory_space<hbm>>)
      tpu.yield
    }) : () -> ()
    return
  }
}

module attributes {stable_mosaic.version = 14 : i64} {
  func.func @_tca_body(%arg0: i32, %arg1: memref<2000x128xf32, #tpu.memory_space<vmem>>, %arg2: memref<128x128xf32, #tpu.memory_space<vmem>>, %arg3: memref<2x2000x128xf32, #tpu.memory_space<vmem>>, %arg4: memref<2000x128xf32, #tpu.memory_space<vmem>>, %arg5: memref<2000x128xf32, #tpu.memory_space<vmem>>) attributes {dimension_semantics = [#tpu.dimension_semantics<arbitrary>], iteration_bounds = array<i64: 5>, scalar_prefetch = 0 : i64, scratch_operands = 0 : i64, tpu.core_type = #tpu.core_type<tc>, window_params = [{transform_indices = @transform_0, window_bounds = array<i64: 2000, 128>}, {pipeline_mode = #tpu.pipeline_mode<synchronous>, transform_indices = @transform_1, window_bounds = array<i64: 128, 128>}, {transform_indices = @transform_2, window_bounds = array<i64: 2, 2000, 128>}, {transform_indices = @transform_3, window_bounds = array<i64: 2000, 128>}, {transform_indices = @transform_4, window_bounds = array<i64: 2000, 128>}]} {
    %get3A = arith.constant 0 : index
    %get3A_0 = arith.constant 0 : index
    %get3A_1 = vector.load %arg1[%get3A, %get3A_0] : memref<2000x128xf32, #tpu.memory_space<vmem>>, vector<2000x128xf32>
    %get3A_2 = arith.constant 0 : index
    %get3A_3 = arith.constant 0 : index
    %get3A_4 = vector.load %arg2[%get3A_2, %get3A_3] : memref<128x128xf32, #tpu.memory_space<vmem>>, vector<128x128xf32>
    %dot_general3A = arith.constant dense<0.000000e+00> : vector<2000x128xf32>
    %dot_general3A_5 = tpu.matmul %get3A_1, %get3A_4, %dot_general3A {dimension_numbers = #tpu.dot_dimension_numbers<[1], [0], [0], [1], [0, 0, 1, 1], [], []>, transpose_lhs_hint = false} : vector<2000x128xf32>, vector<128x128xf32>, vector<2000x128xf32> -> vector<2000x128xf32>
    %get3A_6 = arith.constant 0 : index
    %get3A_7 = arith.constant 0 : index
    %get3A_8 = arith.constant 0 : index
    %get3A_9 = vector.load %arg3[%get3A_6, %get3A_7, %get3A_8] : memref<2x2000x128xf32, #tpu.memory_space<vmem>>, vector<2x2000x128xf32>
    %slice3A = vector.extract_strided_slice %get3A_9 {offsets = [0, 0, 0], sizes = [1, 2000, 128], strides = [1, 1, 1]} : vector<2x2000x128xf32> to vector<1x2000x128xf32>
    %squeeze3A = vector.shape_cast %slice3A : vector<1x2000x128xf32> to vector<2000x128xf32>
    %slice3A_10 = vector.extract_strided_slice %get3A_9 {offsets = [1, 0, 0], sizes = [1, 2000, 128], strides = [1, 1, 1]} : vector<2x2000x128xf32> to vector<1x2000x128xf32>
    %squeeze3A_11 = vector.shape_cast %slice3A_10 : vector<1x2000x128xf32> to vector<2000x128xf32>
    %add3A = arith.addf %squeeze3A, %squeeze3A_11 : vector<2000x128xf32>
    %add3A_12 = arith.constant 1.000000e+00 : f32
    %add3A_13 = vector.broadcast %add3A_12 : f32 to vector<2000x128xf32>
    %add3A_14 = arith.addf %add3A, %add3A_13 : vector<2000x128xf32>
    %rsqrt3A = math.rsqrt %add3A_14 : vector<2000x128xf32>
    %slice3A_15 = vector.extract_strided_slice %rsqrt3A {offsets = [0, 0], sizes = [2000, 1], strides = [1, 1]} : vector<2000x128xf32> to vector<2000x1xf32>
    %swap3A = arith.constant 0 : index
    %swap3A_16 = arith.constant 0 : index
    %swap3A_17 = vector.load %arg4[%swap3A, %swap3A_16] : memref<2000x128xf32, #tpu.memory_space<vmem>>, vector<2000x128xf32>
    tpu.vector_store %arg4[%swap3A, %swap3A_16], %dot_general3A_5 {strides = array<i32>} : memref<2000x128xf32, #tpu.memory_space<vmem>>, vector<2000x128xf32>,
    %mul3A = vector.broadcast %slice3A_15 : vector<2000x1xf32> to vector<2000x128xf32>
    %mul3A_18 = arith.mulf %dot_general3A_5, %mul3A : vector<2000x128xf32>
    %swap3A_19 = arith.constant 0 : index
    %swap3A_20 = arith.constant 0 : index
    %swap3A_21 = vector.load %arg5[%swap3A_19, %swap3A_20] : memref<2000x128xf32, #tpu.memory_space<vmem>>, vector<2000x128xf32>
    tpu.vector_store %arg5[%swap3A_19, %swap3A_20], %mul3A_18 {strides = array<i32>} : memref<2000x128xf32, #tpu.memory_space<vmem>>, vector<2000x128xf32>,
    return
  }
  func.func @transform_0(%arg0: i32) -> (i32, i32) {
    %c0_i32 = arith.constant 0 : i32
    %c0_i32_0 = arith.constant 0 : i32
    return %arg0, %c0_i32 : i32, i32
  }
  func.func @transform_1(%arg0: i32) -> (i32, i32) {
    %c0_i32 = arith.constant 0 : i32
    %c0_i32_0 = arith.constant 0 : i32
    %c0_i32_1 = arith.constant 0 : i32
    return %c0_i32, %c0_i32_0 : i32, i32
  }
  func.func @transform_2(%arg0: i32) -> (i32, i32, i32) {
    %c0_i32 = arith.constant 0 : i32
    %c0_i32_0 = arith.constant 0 : i32
    %c0_i32_1 = arith.constant 0 : i32
    return %c0_i32, %arg0, %c0_i32_0 : i32, i32, i32
  }
  func.func @transform_3(%arg0: i32) -> (i32, i32) {
    %c0_i32 = arith.constant 0 : i32
    %c0_i32_0 = arith.constant 0 : i32
    return %arg0, %c0_i32 : i32, i32
  }
  func.func @transform_4(%arg0: i32) -> (i32, i32) {
    %c0_i32 = arith.constant 0 : i32
    %c0_i32_0 = arith.constant 0 : i32
    return %arg0, %c0_i32 : i32, i32
  }
}

module attributes {stable_mosaic.version = 14 : i64} {
  func.func @_tcb_body(%arg0: i32, %arg1: memref<2x2000x128xf32, #tpu.memory_space<vmem>>, %arg2: memref<2000x128xf32, #tpu.memory_space<vmem>>, %arg3: memref<1x128xf32, #tpu.memory_space<vmem>>, %arg4: memref<2x2000x128xf32, #tpu.memory_space<vmem>>, %arg5: memref<2000x128xf32, #tpu.memory_space<vmem>>, %arg6: memref<2000x128xf32, #tpu.memory_space<vmem>>) attributes {dimension_semantics = [#tpu.dimension_semantics<arbitrary>], iteration_bounds = array<i64: 5>, scalar_prefetch = 0 : i64, scratch_operands = 0 : i64, tpu.core_type = #tpu.core_type<tc>, window_params = [{transform_indices = @transform_0, window_bounds = array<i64: 2, 2000, 128>}, {transform_indices = @transform_1, window_bounds = array<i64: 2000, 128>}, {pipeline_mode = #tpu.pipeline_mode<synchronous>, transform_indices = @transform_2, window_bounds = array<i64: 1, 128>}, {transform_indices = @transform_3, window_bounds = array<i64: 2, 2000, 128>}, {transform_indices = @transform_4, window_bounds = array<i64: 2000, 128>}, {transform_indices = @transform_5, window_bounds = array<i64: 2000, 128>}]} {
    %get3A = arith.constant 0 : index
    %get3A_0 = arith.constant 0 : index
    %get3A_1 = arith.constant 0 : index
    %get3A_2 = vector.load %arg4[%get3A, %get3A_0, %get3A_1] : memref<2x2000x128xf32, #tpu.memory_space<vmem>>, vector<2x2000x128xf32>
    %slice3A = vector.extract_strided_slice %get3A_2 {offsets = [0, 0, 0], sizes = [1, 2000, 128], strides = [1, 1, 1]} : vector<2x2000x128xf32> to vector<1x2000x128xf32>
    %squeeze3A = vector.shape_cast %slice3A : vector<1x2000x128xf32> to vector<2000x128xf32>
    %slice3A_3 = vector.extract_strided_slice %get3A_2 {offsets = [1, 0, 0], sizes = [1, 2000, 128], strides = [1, 1, 1]} : vector<2x2000x128xf32> to vector<1x2000x128xf32>
    %squeeze3A_4 = vector.shape_cast %slice3A_3 : vector<1x2000x128xf32> to vector<2000x128xf32>
    %add3A = arith.addf %squeeze3A, %squeeze3A_4 : vector<2000x128xf32>
    %add3A_5 = arith.constant 1.000000e+00 : f32
    %add3A_6 = vector.broadcast %add3A_5 : f32 to vector<2000x128xf32>
    %add3A_7 = arith.addf %add3A, %add3A_6 : vector<2000x128xf32>
    %rsqrt3A = math.rsqrt %add3A_7 : vector<2000x128xf32>
    %slice3A_8 = vector.extract_strided_slice %rsqrt3A {offsets = [0, 0], sizes = [2000, 1], strides = [1, 1]} : vector<2000x128xf32> to vector<2000x1xf32>
    %get3A_9 = arith.constant 0 : index
    %get3A_10 = arith.constant 0 : index
    %get3A_11 = arith.constant 0 : index
    %get3A_12 = vector.load %arg1[%get3A_9, %get3A_10, %get3A_11] : memref<2x2000x128xf32, #tpu.memory_space<vmem>>, vector<1x2000x128xf32>
    %get3A_13 = vector.shape_cast %get3A_12 : vector<1x2000x128xf32> to vector<2000x128xf32>
    %get3A_14 = arith.constant 1 : index
    %get3A_15 = arith.constant 0 : index
    %get3A_16 = arith.constant 0 : index
    %get3A_17 = vector.load %arg1[%get3A_14, %get3A_15, %get3A_16] : memref<2x2000x128xf32, #tpu.memory_space<vmem>>, vector<1x2000x128xf32>
    %get3A_18 = vector.shape_cast %get3A_17 : vector<1x2000x128xf32> to vector<2000x128xf32>
    %add3A_19 = arith.addf %get3A_13, %get3A_18 : vector<2000x128xf32>
    %mul3A = vector.broadcast %slice3A_8 : vector<2000x1xf32> to vector<2000x128xf32>
    %mul3A_20 = arith.mulf %mul3A, %add3A_19 : vector<2000x128xf32>
    %mul3A_21 = arith.mulf %slice3A_8, %slice3A_8 : vector<2000x1xf32>
    %get3A_22 = arith.constant 0 : index
    %get3A_23 = arith.constant 0 : index
    %get3A_24 = vector.load %arg2[%get3A_22, %get3A_23] : memref<2000x128xf32, #tpu.memory_space<vmem>>, vector<2000x128xf32>
    %mul3A_25 = vector.broadcast %mul3A_21 : vector<2000x1xf32> to vector<2000x128xf32>
    %mul3A_26 = arith.mulf %mul3A_25, %get3A_24 : vector<2000x128xf32>
    %add3A_27 = arith.addf %mul3A_20, %mul3A_26 : vector<2000x128xf32>
    %get3A_28 = arith.constant 0 : index
    %get3A_29 = arith.constant 0 : index
    %get3A_30 = vector.load %arg3[%get3A_28, %get3A_29] : memref<1x128xf32, #tpu.memory_space<vmem>>, vector<1x128xf32>
    %add3A_31 = vector.broadcast %get3A_30 : vector<1x128xf32> to vector<2000x128xf32>
    %add3A_32 = arith.addf %add3A_27, %add3A_31 : vector<2000x128xf32>
    %max3A = arith.constant 0.000000e+00 : f32
    %max3A_33 = vector.broadcast %max3A : f32 to vector<2000x128xf32>
    %max3A_34 = arith.maximumf %add3A_32, %max3A_33 : vector<2000x128xf32>
    %swap3A = arith.constant 0 : index
    %swap3A_35 = arith.constant 0 : index
    %swap3A_36 = vector.load %arg5[%swap3A, %swap3A_35] : memref<2000x128xf32, #tpu.memory_space<vmem>>, vector<2000x128xf32>
    tpu.vector_store %arg5[%swap3A, %swap3A_35], %max3A_34 {strides = array<i32>} : memref<2000x128xf32, #tpu.memory_space<vmem>>, vector<2000x128xf32>,
    %mul3A_37 = vector.broadcast %slice3A_8 : vector<2000x1xf32> to vector<2000x128xf32>
    %mul3A_38 = arith.mulf %max3A_34, %mul3A_37 : vector<2000x128xf32>
    %swap3A_39 = arith.constant 0 : index
    %swap3A_40 = arith.constant 0 : index
    %swap3A_41 = vector.load %arg6[%swap3A_39, %swap3A_40] : memref<2000x128xf32, #tpu.memory_space<vmem>>, vector<2000x128xf32>
    tpu.vector_store %arg6[%swap3A_39, %swap3A_40], %mul3A_38 {strides = array<i32>} : memref<2000x128xf32, #tpu.memory_space<vmem>>, vector<2000x128xf32>,
    return
  }
  func.func @transform_0(%arg0: i32) -> (i32, i32, i32) {
    %c0_i32 = arith.constant 0 : i32
    %c0_i32_0 = arith.constant 0 : i32
    %c0_i32_1 = arith.constant 0 : i32
    return %c0_i32, %arg0, %c0_i32_0 : i32, i32, i32
  }
  func.func @transform_1(%arg0: i32) -> (i32, i32) {
    %c0_i32 = arith.constant 0 : i32
    %c0_i32_0 = arith.constant 0 : i32
    return %arg0, %c0_i32 : i32, i32
  }
  func.func @transform_2(%arg0: i32) -> (i32, i32) {
    %c0_i32 = arith.constant 0 : i32
    %c0_i32_0 = arith.constant 0 : i32
    %c0_i32_1 = arith.constant 0 : i32
    return %c0_i32, %c0_i32_0 : i32, i32
  }
  func.func @transform_3(%arg0: i32) -> (i32, i32, i32) {
    %c0_i32 = arith.constant 0 : i32
    %c0_i32_0 = arith.constant 0 : i32
    %c0_i32_1 = arith.constant 0 : i32
    return %c0_i32, %arg0, %c0_i32_0 : i32, i32, i32
  }
  func.func @transform_4(%arg0: i32) -> (i32, i32) {
    %c0_i32 = arith.constant 0 : i32
    %c0_i32_0 = arith.constant 0 : i32
    return %arg0, %c0_i32 : i32, i32
  }
  func.func @transform_5(%arg0: i32) -> (i32, i32) {
    %c0_i32 = arith.constant 0 : i32
    %c0_i32_0 = arith.constant 0 : i32
    return %arg0, %c0_i32 : i32, i32
  }
}

module attributes {stable_mosaic.version = 14 : i64} {
  func.func @_tcc_body(%arg0: i32, %arg1: memref<2x2000x128xf32, #tpu.memory_space<vmem>>, %arg2: memref<2000x128xf32, #tpu.memory_space<vmem>>, %arg3: memref<1x64xf32, #tpu.memory_space<vmem>>, %arg4: memref<2x2000x128xf32, #tpu.memory_space<vmem>>, %arg5: memref<128x64xf32, #tpu.memory_space<vmem>>, %arg6: memref<2000x64xf32, #tpu.memory_space<vmem>>) attributes {dimension_semantics = [#tpu.dimension_semantics<arbitrary>], iteration_bounds = array<i64: 5>, scalar_prefetch = 0 : i64, scratch_operands = 0 : i64, tpu.core_type = #tpu.core_type<tc>, window_params = [{transform_indices = @transform_0, window_bounds = array<i64: 2, 2000, 128>}, {transform_indices = @transform_1, window_bounds = array<i64: 2000, 128>}, {pipeline_mode = #tpu.pipeline_mode<synchronous>, transform_indices = @transform_2, window_bounds = array<i64: 1, 64>}, {transform_indices = @transform_3, window_bounds = array<i64: 2, 2000, 128>}, {pipeline_mode = #tpu.pipeline_mode<synchronous>, transform_indices = @transform_4, window_bounds = array<i64: 128, 64>}, {transform_indices = @transform_5, window_bounds = array<i64: 2000, 64>}]} {
    %get3A = arith.constant 0 : index
    %get3A_0 = arith.constant 0 : index
    %get3A_1 = arith.constant 0 : index
    %get3A_2 = vector.load %arg4[%get3A, %get3A_0, %get3A_1] : memref<2x2000x128xf32, #tpu.memory_space<vmem>>, vector<2x2000x128xf32>
    %slice3A = vector.extract_strided_slice %get3A_2 {offsets = [0, 0, 0], sizes = [1, 2000, 128], strides = [1, 1, 1]} : vector<2x2000x128xf32> to vector<1x2000x128xf32>
    %squeeze3A = vector.shape_cast %slice3A : vector<1x2000x128xf32> to vector<2000x128xf32>
    %slice3A_3 = vector.extract_strided_slice %get3A_2 {offsets = [1, 0, 0], sizes = [1, 2000, 128], strides = [1, 1, 1]} : vector<2x2000x128xf32> to vector<1x2000x128xf32>
    %squeeze3A_4 = vector.shape_cast %slice3A_3 : vector<1x2000x128xf32> to vector<2000x128xf32>
    %add3A = arith.addf %squeeze3A, %squeeze3A_4 : vector<2000x128xf32>
    %add3A_5 = arith.constant 1.000000e+00 : f32
    %add3A_6 = vector.broadcast %add3A_5 : f32 to vector<2000x128xf32>
    %add3A_7 = arith.addf %add3A, %add3A_6 : vector<2000x128xf32>
    %rsqrt3A = math.rsqrt %add3A_7 : vector<2000x128xf32>
    %slice3A_8 = vector.extract_strided_slice %rsqrt3A {offsets = [0, 0], sizes = [2000, 1], strides = [1, 1]} : vector<2000x128xf32> to vector<2000x1xf32>
    %get3A_9 = arith.constant 0 : index
    %get3A_10 = arith.constant 0 : index
    %get3A_11 = arith.constant 0 : index
    %get3A_12 = vector.load %arg1[%get3A_9, %get3A_10, %get3A_11] : memref<2x2000x128xf32, #tpu.memory_space<vmem>>, vector<1x2000x128xf32>
    %get3A_13 = vector.shape_cast %get3A_12 : vector<1x2000x128xf32> to vector<2000x128xf32>
    %get3A_14 = arith.constant 1 : index
    %get3A_15 = arith.constant 0 : index
    %get3A_16 = arith.constant 0 : index
    %get3A_17 = vector.load %arg1[%get3A_14, %get3A_15, %get3A_16] : memref<2x2000x128xf32, #tpu.memory_space<vmem>>, vector<1x2000x128xf32>
    %get3A_18 = vector.shape_cast %get3A_17 : vector<1x2000x128xf32> to vector<2000x128xf32>
    %add3A_19 = arith.addf %get3A_13, %get3A_18 : vector<2000x128xf32>
    %mul3A = vector.broadcast %slice3A_8 : vector<2000x1xf32> to vector<2000x128xf32>
    %mul3A_20 = arith.mulf %mul3A, %add3A_19 : vector<2000x128xf32>
    %mul3A_21 = arith.mulf %slice3A_8, %slice3A_8 : vector<2000x1xf32>
    %get3A_22 = arith.constant 0 : index
    %get3A_23 = arith.constant 0 : index
    %get3A_24 = vector.load %arg2[%get3A_22, %get3A_23] : memref<2000x128xf32, #tpu.memory_space<vmem>>, vector<2000x128xf32>
    %mul3A_25 = vector.broadcast %mul3A_21 : vector<2000x1xf32> to vector<2000x128xf32>
    %mul3A_26 = arith.mulf %mul3A_25, %get3A_24 : vector<2000x128xf32>
    %add3A_27 = arith.addf %mul3A_20, %mul3A_26 : vector<2000x128xf32>
    %get3A_28 = arith.constant 0 : index
    %get3A_29 = arith.constant 0 : index
    %get3A_30 = vector.load %arg5[%get3A_28, %get3A_29] : memref<128x64xf32, #tpu.memory_space<vmem>>, vector<128x64xf32>
    %dot_general3A = arith.constant dense<0.000000e+00> : vector<2000x64xf32>
    %dot_general3A_31 = tpu.matmul %add3A_27, %get3A_30, %dot_general3A {dimension_numbers = #tpu.dot_dimension_numbers<[1], [0], [0], [1], [0, 0, 1, 1], [], []>, transpose_lhs_hint = false} : vector<2000x128xf32>, vector<128x64xf32>, vector<2000x64xf32> -> vector<2000x64xf32>
    %get3A_32 = arith.constant 0 : index
    %get3A_33 = arith.constant 0 : index
    %get3A_34 = vector.load %arg3[%get3A_32, %get3A_33] : memref<1x64xf32, #tpu.memory_space<vmem>>, vector<1x64xf32>
    %add3A_35 = vector.broadcast %get3A_34 : vector<1x64xf32> to vector<2000x64xf32>
    %add3A_36 = arith.addf %dot_general3A_31, %add3A_35 : vector<2000x64xf32>
    %swap3A = arith.constant 0 : index
    %swap3A_37 = arith.constant 0 : index
    %swap3A_38 = vector.load %arg6[%swap3A, %swap3A_37] : memref<2000x64xf32, #tpu.memory_space<vmem>>, vector<2000x64xf32>
    tpu.vector_store %arg6[%swap3A, %swap3A_37], %add3A_36 {strides = array<i32>} : memref<2000x64xf32, #tpu.memory_space<vmem>>, vector<2000x64xf32>,
    return
  }
  func.func @transform_0(%arg0: i32) -> (i32, i32, i32) {
    %c0_i32 = arith.constant 0 : i32
    %c0_i32_0 = arith.constant 0 : i32
    %c0_i32_1 = arith.constant 0 : i32
    return %c0_i32, %arg0, %c0_i32_0 : i32, i32, i32
  }
  func.func @transform_1(%arg0: i32) -> (i32, i32) {
    %c0_i32 = arith.constant 0 : i32
    %c0_i32_0 = arith.constant 0 : i32
    return %arg0, %c0_i32 : i32, i32
  }
  func.func @transform_2(%arg0: i32) -> (i32, i32) {
    %c0_i32 = arith.constant 0 : i32
    %c0_i32_0 = arith.constant 0 : i32
    %c0_i32_1 = arith.constant 0 : i32
    return %c0_i32, %c0_i32_0 : i32, i32
  }
  func.func @transform_3(%arg0: i32) -> (i32, i32, i32) {
    %c0_i32 = arith.constant 0 : i32
    %c0_i32_0 = arith.constant 0 : i32
    %c0_i32_1 = arith.constant 0 : i32
    return %c0_i32, %arg0, %c0_i32_0 : i32, i32, i32
  }
  func.func @transform_4(%arg0: i32) -> (i32, i32) {
    %c0_i32 = arith.constant 0 : i32
    %c0_i32_0 = arith.constant 0 : i32
    %c0_i32_1 = arith.constant 0 : i32
    return %c0_i32, %c0_i32_0 : i32, i32
  }
  func.func @transform_5(%arg0: i32) -> (i32, i32) {
    %c0_i32 = arith.constant 0 : i32
    %c0_i32_0 = arith.constant 0 : i32
    return %arg0, %c0_i32 : i32, i32
  }
}

</mosaic_0001>

<sc_bundles>
// kernel: kernel.11.cloned.1.call-start
scs
__scs_entry_jumppad:
0x0: {  	(pc) =	sbr.rel $0x88, $3  }
0x1: {  	(tag) =	ssettag $0x0;
	lr =	simm.s32 $0x1  }
0x2: {  	[smem:$0x3F9B] =	sst lr;
	_ =	strace $0xD0000000  }
0x3: {  	_ = 	snop  }
0x4: {  	_ = 	snop  }
0x5: {  	_ = 	snop  }
0x6: {  	_ = 	snop  }
0x7: {  	_ = 	snop  }
__scs_overlays_trampoline_lowered:
0x8: {  	[smem:$0x3FAA] =	sst s0  }
0x9: {  	[smem:$0x3FAB] =	sst s1  }
0xa: {  	[smem:$0x3FAC] =	sst s2  }
0xb: {  	[smem:$0x3FAD] =	sst s3  }
0xc: {  	[smem:$0x3FAE] =	sst s4  }
0xd: {  	[smem:$0x3FAF] =	sst s5  }
0xe: {  	[smem:$0x3FB0] =	sst s6  }
0xf: {  	[smem:$0x3FB1] =	sst s7  }
0x10: {  	[smem:$0x3FB2] =	sst s8  }
0x11: {  	[smem:$0x3FB3] =	sst s9;
	s0 =	simm.s32 @!p0 $0x0  }
0x12: {  	s1 =	sld [smem:$0x3F99];
	s0 =	simm.s32 @p0 $0x1  }
0x13: {  	[smem:$0x3FB4] =	sst s0;
	s0 =	simm.s32 @!p1 $0x0  }
0x14: {  	s2 =	sld [smem:$0x3F98];
	s0 =	simm.s32 @p1 $0x1  }
0x15: {  	[smem:$0x3FB5] =	sst s0;
	s0 =	simm.s32 @!p2 $0x0  }
0x16: {  	s3 =	sld [smem:$0x3FDB];
	s0 =	simm.s32 @p2 $0x1  }
0x17: {  	s4 =	simm.s32 $0x1BF5;
	[smem:$0x3FB7] =	sst s0  }
0x18: {  	s0 =	sld [smem:$0x3F9A];
	_ =	swait.ge [sflag:s4], $0x0  }
0x19: {  	s7 =	sld [smem:$0x3F9B]  }
0x1a: {  	s8 =	sadd.s32 $0xFFFFE003, lr  }
0x1b: {  	s9 =	sadd.s32 $0xFFFFFEF7, lr;
	s5 =	simm.s32 $0xFFFFFFFF;
	p2 =	slt.u32 s8, $0xFFFFF086  }
0x1c: {  	p1 =	slt.u32 s9, $0xF7A;
	s5 =	simm.s32 @!p2 $0x0  }
0x1d: {  	s5 =	simm.s32 @p1 $0x1;
	p0 =	seq.s32 s7, s2  }
0x1e: {  	s7 =	smul.u32 @!p0 $0xF7A, s2;
	p2 =	seq.s32 @!p0 s5, $0x0  }
0x1f: {  	s9 =	smul.u32 $0xF7A, s1;
	s8 =	simm.s32 @!p0 $0x1BF5;
	p2 =	por !p2, p0  }
0x20: {  	[sflag:s8] =	ssyncset.s32 @!p0 $0xFFFFF086;
	s6 =	sadd.s32 @!p0 s3, s7;
	s7 =	simm.s32 @!p0 $0x108  }
0x21: {  	s3 =	sadd.s32 s3, s9;
	s6 =	sadd.s32 @!p0 $0x88, s6;
	s7 =	simm.s32 @p2 $0x1082  }
0x22: {  	[simem:s7], [sflag:s8] =	dma.local @!p0 [hbm:s6], $0xF7A  }
0x23: {  	s9 =	sor.u32 $0xD0000000, s2;
	s6 =	simm.s32 $0x108;
	_ =	swait.ge @!p0 [sflag:s8], $0x0  }
0x24: {  	s3 =	sadd.s32 $0x88, s3;
	s6 =	simm.s32 @!p1 $0x1082;
	[sflag:s4] =	ssyncset.s32 $0xFFFFF086  }
0x25: {  	[simem:s6], [sflag:s4] =	dma.local [hbm:s3], $0xF7A  }
0x26: {  	[smem:$0x3F9B] =	sst s1;
	(tag) =	ssettag s2;
	_ =	strace s9  }
0x27: {  	s1 =	sld [smem:$0x3FAB]  }
0x28: {  	s2 =	sld [smem:$0x3FAC]  }
0x29: {  	s4 =	sld [smem:$0x3FAE]  }
0x2a: {  	p0 =	seq.s32 s5, $0x0;
	s5 =	sld [smem:$0x3FAF]  }
0x2b: {  	s6 =	sld [smem:$0x3FB0]  }
0x2c: {  	s7 =	sld [smem:$0x3FB1]  }
0x2d: {  	s3 =	simm.s32 $0x108;
	s8 =	sld [smem:$0x3FB2]  }
0x2e: {  	s3 =	simm.s32 @!p0 $0x1082;
	s9 =	sld [smem:$0x3FB3]  }
0x2f: {  	lr =	sadd.s32 s0, s3;
	s0 =	sld [smem:$0x3FAA]  }
0x30: {  	s3 =	sld [smem:$0x3FAD]  }
0x31: {  	[smem:$0x3FB6] =	sst s10  }
0x32: {  	s10 =	sld [smem:$0x3FB4];
	_ =	sdelay $0x3  }
0x33: {  	p0 =	seq.s32 s10, $0x1;
	s10 =	sld [smem:$0x3FB6];
	_ =	sdelay $0x3  }
0x34: {  	[smem:$0x3FB6] =	sst s10  }
0x35: {  	s10 =	sld [smem:$0x3FB5];
	_ =	sdelay $0x3  }
0x36: {  	p1 =	seq.s32 s10, $0x1;
	s10 =	sld [smem:$0x3FB6];
	_ =	sdelay $0x3  }
0x37: {  	[smem:$0x3FB6] =	sst s10  }
0x38: {  	s10 =	sld [smem:$0x3FB7]  }
0x39: {  	_ = 	snop;
	(pc) =	sbr.ind lr, $3  }
0x3a: {  	_ = 	snop  }
0x3b: {  	_ = 	snop  }
0x3c: {  	p2 =	seq.s32 s10, $0x1;
	s10 =	sld [smem:$0x3FB6]  }
0x3d: {  	_ =	shalt  }
0x3e: {  	_ =	shalt  }
0x3f: {  	_ =	shalt  }
0x40: {  	_ =	shalt  }
0x41: {  	_ =	shalt  }
0x42: {  	_ =	shalt  }
0x43: {  	_ =	shalt  }
0x44: {  	_ =	shalt  }
0x45: {  	_ =	shalt  }
0x46: {  	_ =	shalt  }
0x47: {  	_ =	shalt  }
0x48: {  	_ =	shalt  }
0x49: {  	_ =	shalt  }
0x4a: {  	_ =	shalt  }
0x4b: {  	_ =	shalt  }
0x4c: {  	_ =	shalt  }
0x4d: {  	_ =	shalt  }
0x4e: {  	_ =	shalt  }
0x4f: {  	_ =	shalt  }
0x50: {  	_ =	shalt  }
0x51: {  	_ =	shalt  }
0x52: {  	_ =	shalt  }
0x53: {  	_ =	shalt  }
0x54: {  	_ =	shalt  }
0x55: {  	_ =	shalt  }
0x56: {  	_ =	shalt  }
0x57: {  	_ =	shalt  }
0x58: {  	_ =	shalt  }
0x59: {  	_ =	shalt  }
0x5a: {  	_ =	shalt  }
0x5b: {  	_ =	shalt  }
0x5c: {  	_ =	shalt  }
0x5d: {  	_ =	shalt  }
0x5e: {  	_ =	shalt  }
0x5f: {  	_ =	shalt  }
0x60: {  	_ =	shalt  }
0x61: {  	_ =	shalt  }
0x62: {  	_ =	shalt  }
0x63: {  	_ =	shalt  }
0x64: {  	_ =	shalt  }
0x65: {  	_ =	shalt  }
0x66: {  	_ =	shalt  }
0x67: {  	_ =	shalt  }
0x68: {  	_ =	shalt  }
0x69: {  	_ =	shalt  }
0x6a: {  	_ =	shalt  }
0x6b: {  	_ =	shalt  }
0x6c: {  	_ =	shalt  }
0x6d: {  	_ =	shalt  }
0x6e: {  	_ =	shalt  }
0x6f: {  	_ =	shalt  }
0x70: {  	_ =	shalt  }
0x71: {  	_ =	shalt  }
0x72: {  	_ =	shalt  }
0x73: {  	_ =	shalt  }
0x74: {  	_ =	shalt  }
0x75: {  	_ =	shalt  }
0x76: {  	_ =	shalt  }
0x77: {  	_ =	shalt  }
0x78: {  	_ =	shalt  }
0x79: {  	_ =	shalt  }
0x7a: {  	_ =	shalt  }
0x7b: {  	_ =	shalt  }
0x7c: {  	_ =	shalt  }
0x7d: {  	_ =	shalt  }
0x7e: {  	_ =	shalt  }
0x7f: {  	_ =	shalt  }
0x80: {  	_ =	shalt  }
0x81: {  	_ =	shalt  }
0x82: {  	_ =	shalt  }
0x83: {  	_ =	shalt  }
0x84: {  	_ =	shalt  }
0x85: {  	_ =	shalt  }
0x86: {  	_ =	shalt  }
0x87: {  	_ =	shalt  }
.Lfunc_end0:
.L_simem_size_0:
called_computation.1_lowered:
.L_overlay_start_0:
0x88: {  	s2 =	sld [smem:$0x3FD9]  }
0x89: {  	s3 =	sld [smem:$0x3FFE];
	_ =	sdelay $0x1  }
0x8a: {  	s1 =	srdreg.scid  }
0x8b: {  	s0 =	sand.u32 $0x1, s1  }
0x8c: {  	s16 =	sshll.u32 s0, $0xA;
	s2 =	sadd.s32 s3, s2  }
0x8d: {  	s2 =	sadd.s32 s2, s16  }
0x8e: {  	[smem:$0x3FC2] =	sst s2  }
0x8f: {  	_ = 	snop  }
0x90: {  	(tm) =	ssettm $0x1  }
0x91: {  	s17 =	sld [smem:$0x3FFB];
	_ =	sdelay $0x3  }
0x92: {  	_ =	strace s17  }
0x93: {  	s2 =	sld [smem:$0x3FFC];
	_ =	sdelay $0x3  }
0x94: {  	_ =	strace s2  }
0x95: {  	s2 =	sld [smem:$0x3FFD];
	_ =	sdelay $0x3  }
0x96: {  	_ =	strace s2  }
0x97: {  	_ =	strace $0x8FFFFFFF  }
0x98: {  	s18 =	sld [smem:$0x3FDB];
	_ =	sdelay $0x1  }
0x99: {  	s19 =	simm.s32 $_scs_section_size  }
0x9a: {  	s4 =	simm.s32 $_size__tile_overlayer_lowered;
	s5 =	simm.s32 $_tile_overlayer_lowered  }
0x9b: {  	s22 =	simm.s32 $0x1BFF;
	s21 =	sshll.u32 s5, $0x1;
	s2 =	sadd.s32 s19, s18  }
0x9c: {  	s6 =	simm.s32 $0x0;
	s20 =	sshll.u32 s4, $0x1;
	s4 =	sadd.s32 s21, s2  }
0x9d: {  	[timem:s6], [sflag:s22] =	dma.local [hbm:s4], s20  }
0x9e: {  	_ =	swait.ge [sflag:s22], s20  }
0x9f: {  	s3 =	ssub.s32 $0x0, s20;
	[sflag:s22] =	ssyncset.done $0x0  }
0xa0: {  	[sflag:s22] =	ssyncadd.s32 s3;
	_ =	sdelay $0x1  }
0xa1: {  	s23 =	simm.s32 $0x1B8B  }
0xa2: {  	_ =	swait.ge [sflag:s23], $0x1  }
0xa3: {  	[sflag:s23] =	ssyncset.done $0x0  }
0xa4: {  	s25 =	simm.s32 $0x1B8E;
	s24 =	sld [smem:$0x3FFE];
	[sflag:s23] =	ssyncadd.s32 $0xFFFFFFFF  }
0xa5: {  	s26 =	simm.s32 $execute0_lowered;
	[smem:$0x3FD2] =	sst s25  }
0xa6: {  	s4 =	sshll.u32 s26, $0x1;
	_ =	strace $0x80000049;
	[dreg:$0x1] =	wrdreg $0xFFFFFFFF  }
0xa7: {  	s28 =	simm.s32 $_size_execute0_lowered;
	s2 =	sadd.s32 s2, s4;
	[dreg:$0x0] =	wrdreg $0x0  }
0xa8: {  	s4 =	sshll.u32 s28, $0x1;
	[dreg:$0x2] =	wrdreg s2  }
0xa9: {  	[dreg:$0x3] =	wrdreg s4  }
0xaa: {  	[dreg:$0x4] =	wrdreg $0xC0  }
0xab: {  	_ =	task [dreg:s6], $0x5FFFF  }
0xac: {  	[dreg:$0x1] =	wrdreg $0xFFFFFFFF  }
0xad: {  	[dreg:$0x0] =	wrdreg $0x60  }
0xae: {  	[dreg:$0x2] =	wrdreg s24  }
0xaf: {  	[dreg:$0x3] =	wrdreg $0xB4000  }
0xb0: {  	[dreg:$0x4] =	wrdreg $0x9  }
0xb1: {  	_ =	task.clear_ibuf [dreg:s6], $0x5FFFF;
	_ =	strace $0x90000049  }
0xb2: {  	s29 =	simm.s32 $0x9;
	_ =	strace $0x8000004B  }
0xb3: {  	_ =	swait.ge [sflag:s29], $0x1  }
0xb4: {  	[sflag:s29] =	ssyncadd.s32 $0xFFFFFFFF  }
0xb5: {  	_ =	strace $0x9000004B  }
0xb6: {  	_ =	sfence  }
0xb7: {  	s30 =	sld [smem:$0x0];
	_ =	sdelay $0x2  }
0xb8: {  	s31 =	sshll.u32 s1, $0xD;
	s1 =	sshrl.u32 s1, $0x2  }
0xb9: {  	s3 =	sand.u32 $0x4000, s31;
	s1 =	sadd.s32 s1, s30  }
0xba: {  	s0 =	sor.u32 s3, s0;
	s1 =	sshll.u32 s1, $0x11  }
0xbb: {  	s0 =	sor.u32 s1, s0  }
0xbc: {  	s0 =	sadd.s32 $0x8F2B, s0  }
0xbd: {  	[sflag:s0] =	ssyncadd.remote.s32 $0x1  }
0xbe: {  	_ =	sfence.sel $0xFFFF  }
0xbf: {  	[dreg:$0x0] =	wrdreg $0xFFFFFFFF;
	(pc) =	sbr.abs _section_cstart, $3  }
0xc0: {  	[dreg:$0x1] =	wrdreg $0xFFFFFFFF  }
0xc1: {  	_ =	task.clear_ibuf [dreg:s6], $0x2FFFF;
	_ =	strace $0x9FFFFFFF  }
0xc2: {  	(tm) =	ssettm $0x7FFFFFFF  }
0xc3: {  	_ =	shalt  }
tec
execute0_lowered:
.L_overlay_start_1:
0x0: {  	(tag) =	ssettag $0x1  }
0x1: {  	s6 =	rddreg [dreg:$0x0]  }
0x2: {  	s0 =	srdreg.scid;
	s2 =	rddreg [dreg:$0x1]  }
0x3: {  	s3 =	simm.s32 $0x0;
	s13 =	simm.s32 $0x5400;
	s14 =	simm.s32 $0xC0  }
0x4: {  	s15 =	simm.s32 $0x7400;
	s16 =	simm.s32 $0x140;
	s17 =	simm.s32 $0x9400  }
0x5: {  	s18 =	simm.s32 $0x1;
	s19 =	simm.s32 $0x2;
	s20 =	simm.s32 $0x3  }
0x6: {  	s21 =	simm.s32 $0x4F80;
	s5 =	sand.u32 $0x1, s0;
	s0 =	stileid.u32  }
0x7: {  	s22 =	simm.s32 $0x5000;
	s23 =	simm.s32 $0x5080;
	s7 =	smul.u32 $0x14000, s0  }
0x8: {  	s24 =	simm.s32 $0x0;
	[smem:$0x7FF] =	sst s3;
	s8 =	smul.u32 $0x140000, s5  }
0x9: {  	s1 =	sshll.u32 s5, $0x4;
	s5 =	ssub.s32 $0x2, s5;
	s28 =	smul.u32 $0x50000, s0  }
0xa: {  	s31 =	sshll.u32 s0, $0x6;
	s1 =	sor.u32 s0, s1;
	s29 =	sshrl.u32 s5, $0x1  }
0xb: {  	s4 =	smul.u32 $0xA80, s1;
	s1 =	rddreg [dreg:$0x2];
	_ =	strace $0x8000004A  }
0xc: {  	s10 =	sshrl.u32 s7, $0x3;
	s7 =	sadd.s32 s7, s8;
	s11 =	ssub.s32 s5, s29  }
0xd: {  	s30 =	sshrl.u32 s28, $0x2;
	s7 =	sshrl.u32 s7, $0x3;
	s10 =	sadd.s32 s10, s6  }
0xe: {  	s12 =	sadd.s32 s30, s2;
	s8 =	smax.u32 s11, $0x1;
	s9 =	sadd.s32 s4, s6  }
0xf: {  	s4 =	sadd.s32 $0x8EE00, s6;
	s7 =	sadd.s32 s7, s6;
	s6 =	sadd.s32 $0x16E00, s10  }
0x10: {  	s10 =	sor.u32 $0x1C04, s31;
	s11 =	sshrl.u32 s12, $0x3;
	s12 =	simm.s32 $0x40  }
0x11: {  	s5 =	sadd.s32 $0x1E00, s9;
	s7 =	sadd.s32 $0xB6000, s7;
	s9 =	simm.s32 $0x4  }
.LBB2_1:
0x12: {  	[tilespmem:s3], [sflag:$0x4] =	stream.linear.gather [hbm4b:s5+s3], $0x5100, $0x38;
	[tilespmem:$0x1F400] =	vst v63  }
0x13: {  	_ =	swait.ge [sflag:s9], $0x5100  }
0x14: {  	[sflag:s9] =	ssyncset.done $0x0  }
0x15: {  	[sflag:s9] =	ssyncadd.s32 $0xFFFFAF00  }
0x16: {  	[spmem:s11], [sflag:s10] =	dma.local [hbm:s6], $0x2800  }
0x17: {  	_ =	swait.ge [sflag:s9], $0x2800  }
0x18: {  	[sflag:s9] =	ssyncset.done $0x0  }
0x19: {  	[sflag:s9] =	ssyncadd.s32 $0xFFFFD800  }
0x1a: {  	[bflag:$0x0] =	sbarrier.arrive $0xFFFF  }
0x1b: {  	[tilespmem:s13], [sflag:$0x1] =	stream.indirect.gather [hbm4b:s4+s12], $0x80, s12, s12, $0xb8;
	[tilespmem:$0x1F400] =	vst v63  }
0x1c: {  	_ = 	snop  }
0x1d: {  	[tilespmem:s15], [sflag:$0x2] =	stream.indirect.gather [hbm4b:s4+s12], $0x80, s14, s12, $0xb8;
	[tilespmem:$0x1F400] =	vst v63  }
0x1e: {  	_ = 	snop  }
0x1f: {  	[tilespmem:s17], [sflag:$0x3] =	stream.indirect.gather [hbm4b:s4+s12], $0x80, s16, s12, $0xb8;
	[tilespmem:$0x1F400] =	vst v63  }
0x20: {  	_ =	swait.ge [sflag:s18], $0x2000  }
0x21: {  	[sflag:s18] =	ssyncset.done $0x0  }
0x22: {  	s25 =	simm.s32 $0x0;
	[sflag:s18] =	ssyncadd.s32 $0xFFFFE000  }
0x23: {  	[spmem:s2] =	stream.indirect.scatter.add.f32 [tilespmem:s13], [sflag:$0x4], $0x80, s25, s12, $0xb8;
	[tilespmem:$0x1F400] =	vst v63  }
0x24: {  	_ =	swait.ge [sflag:s9], $0x2000  }
0x25: {  	[sflag:s9] =	ssyncset.done $0x0  }
0x26: {  	s28 =	simm.s32 $0x1C0;
	[sflag:s9] =	ssyncadd.s32 $0xFFFFE000  }
0x27: {  	[tilespmem:s13], [sflag:$0x1] =	stream.indirect.gather [hbm4b:s4+s12], $0x80, s28, s12, $0xb8;
	[tilespmem:$0x1F400] =	vst v63  }
0x28: {  	_ =	swait.ge [sflag:s19], $0x2000  }
0x29: {  	[sflag:s19] =	ssyncset.done $0x0  }
0x2a: {  	s29 =	simm.s32 $0x80;
	[sflag:s19] =	ssyncadd.s32 $0xFFFFE000  }
0x2b: {  	[spmem:s2] =	stream.indirect.scatter.add.f32 [tilespmem:s15], [sflag:$0x4], $0x80, s29, s12, $0xb8;
	[tilespmem:$0x1F400] =	vst v63  }
0x2c: {  	_ =	swait.ge [sflag:s9], $0x2000  }
0x2d: {  	[sflag:s9] =	ssyncset.done $0x0  }
0x2e: {  	s30 =	simm.s32 $0x240;
	[sflag:s9] =	ssyncadd.s32 $0xFFFFE000  }
0x2f: {  	[tilespmem:s15], [sflag:$0x2] =	stream.indirect.gather [hbm4b:s4+s12], $0x80, s30, s12, $0xb8;
	[tilespmem:$0x1F400] =	vst v63  }
0x30: {  	_ =	swait.ge [sflag:s20], $0x2000  }
0x31: {  	[sflag:s20] =	ssyncset.done $0x0  }
0x32: {  	s31 =	simm.s32 $0x100;
	[sflag:s20] =	ssyncadd.s32 $0xFFFFE000  }
0x33: {  	[spmem:s2] =	stream.indirect.scatter.add.f32 [tilespmem:s17], [sflag:$0x4], $0x80, s31, s12, $0xb8;
	[tilespmem:$0x1F400] =	vst v63  }
0x34: {  	_ =	swait.ge [sflag:s9], $0x2000  }
0x35: {  	[sflag:s9] =	ssyncset.done $0x0  }
0x36: {  	s26 =	simm.s32 $0x2C0;
	s25 =	simm.s32 $0x600;
	[sflag:s9] =	ssyncadd.s32 $0xFFFFE000  }
.LBB2_2:
0x37: {  	[tilespmem:s17], [sflag:$0x3] =	stream.indirect.gather [hbm4b:s4+s12], $0x80, s26, s12, $0xb8;
	[tilespmem:$0x1F400] =	vst v63  }
0x38: {  	s26 =	smov.u32 s25  }
0x39: {  	p0 =	sne.s32 s25, $0x13800;
	s25 =	sadd.s32 $0x600, s25;
	_ =	swait.ge [sflag:s18], $0x2000  }
0x3a: {  	[sflag:s18] =	ssyncset.done $0x0  }
0x3b: {  	s26 =	sshra.s32 s26, $0x2;
	[sflag:s18] =	ssyncadd.s32 $0xFFFFE000  }
0x3c: {  	[spmem:s2] =	stream.indirect.scatter.add.f32 [tilespmem:s13], [sflag:$0x4], $0x80, s26, s12, $0xb8;
	[tilespmem:$0x1F400] =	vst v63  }
0x3d: {  	_ =	swait.ge [sflag:s9], $0x2000  }
0x3e: {  	[sflag:s9] =	ssyncset.done $0x0  }
0x3f: {  	s28 =	sadd.s32 $0x1C0, s26;
	[sflag:s9] =	ssyncadd.s32 $0xFFFFE000  }
0x40: {  	[tilespmem:s13], [sflag:$0x1] =	stream.indirect.gather [hbm4b:s4+s12], $0x80, s28, s12, $0xb8;
	[tilespmem:$0x1F400] =	vst v63  }
0x41: {  	_ =	swait.ge [sflag:s19], $0x2000  }
0x42: {  	[sflag:s19] =	ssyncset.done $0x0  }
0x43: {  	s28 =	sadd.s32 $0x80, s26;
	[sflag:s19] =	ssyncadd.s32 $0xFFFFE000  }
0x44: {  	[spmem:s2] =	stream.indirect.scatter.add.f32 [tilespmem:s15], [sflag:$0x4], $0x80, s28, s12, $0xb8;
	[tilespmem:$0x1F400] =	vst v63  }
0x45: {  	_ =	swait.ge [sflag:s9], $0x2000  }
0x46: {  	[sflag:s9] =	ssyncset.done $0x0  }
0x47: {  	s28 =	sadd.s32 $0x240, s26;
	[sflag:s9] =	ssyncadd.s32 $0xFFFFE000  }
0x48: {  	[tilespmem:s15], [sflag:$0x2] =	stream.indirect.gather [hbm4b:s4+s12], $0x80, s28, s12, $0xb8;
	[tilespmem:$0x1F400] =	vst v63  }
0x49: {  	_ =	swait.ge [sflag:s20], $0x2000  }
0x4a: {  	[sflag:s20] =	ssyncset.done $0x0  }
.Ltmp0:
0x4b: {  	s28 =	sadd.s32 $0x100, s26;
	[sflag:s20] =	ssyncadd.s32 $0xFFFFE000;
	(pc) =	sbr.rel @p0 .LBB2_2-.Ltmp0, $4  }
0x4c: {  	[spmem:s2] =	stream.indirect.scatter.add.f32 [tilespmem:s17], [sflag:$0x4], $0x80, s28, s12, $0xb8;
	[tilespmem:$0x1F400] =	vst v63  }
0x4d: {  	_ =	swait.ge [sflag:s9], $0x2000  }
0x4e: {  	[sflag:s9] =	ssyncset.done $0x0  }
0x4f: {  	s26 =	sadd.s32 $0x2C0, s26;
	[sflag:s9] =	ssyncadd.s32 $0xFFFFE000  }
0x50: {  	[tilespmem:s17], [sflag:$0x3] =	stream.indirect.gather [hbm4b:s4+s12], $0x80, s26, s12, $0xb8;
	[tilespmem:$0x1F400] =	vst v63  }
0x51: {  	_ =	swait.ge [sflag:s18], $0x2000  }
0x52: {  	[sflag:s18] =	ssyncset.done $0x0  }
0x53: {  	[sflag:s18] =	ssyncadd.s32 $0xFFFFE000  }
0x54: {  	[spmem:s2] =	stream.indirect.scatter.add.f32 [tilespmem:s13], [sflag:$0x4], $0x80, s21, s12, $0xb8;
	[tilespmem:$0x1F400] =	vst v63  }
0x55: {  	_ =	swait.ge [sflag:s9], $0x2000  }
0x56: {  	[sflag:s9] =	ssyncset.done $0x0  }
0x57: {  	[sflag:s9] =	ssyncadd.s32 $0xFFFFE000  }
0x58: {  	_ =	swait.ge [sflag:s19], $0x2000  }
0x59: {  	[sflag:s19] =	ssyncset.done $0x0  }
0x5a: {  	[sflag:s19] =	ssyncadd.s32 $0xFFFFE000  }
0x5b: {  	[spmem:s2] =	stream.indirect.scatter.add.f32 [tilespmem:s15], [sflag:$0x4], $0x80, s22, s12, $0xb8;
	[tilespmem:$0x1F400] =	vst v63  }
0x5c: {  	_ =	swait.ge [sflag:s9], $0x2000  }
0x5d: {  	[sflag:s9] =	ssyncset.done $0x0  }
0x5e: {  	[sflag:s9] =	ssyncadd.s32 $0xFFFFE000  }
0x5f: {  	_ =	swait.ge [sflag:s20], $0x2000  }
0x60: {  	[sflag:s20] =	ssyncset.done $0x0  }
0x61: {  	[sflag:s20] =	ssyncadd.s32 $0xFFFFE000  }
0x62: {  	[spmem:s2] =	stream.indirect.scatter.add.f32 [tilespmem:s17], [sflag:$0x4], $0x80, s23, s12, $0xb8;
	[tilespmem:$0x1F400] =	vst v63  }
0x63: {  	_ =	swait.ge [sflag:s9], $0x2000  }
0x64: {  	s24 =	sadd.s32 $0x1, s24;
	[sflag:s9] =	ssyncset.done $0x0  }
0x65: {  	p0 =	sne.s32 s24, s8;
	[sflag:s9] =	ssyncadd.s32 $0xFFFFE000  }
.Ltmp1:
0x66: {  	[bflag:$0x0] =	sbarrier.arrive $0xFFFF;
	(pc) =	sbr.rel @p0 .LBB2_1-.Ltmp1, $4  }
0x67: {  	[hbm:s7], [sflag:s10] =	dma.local [spmem:s11], $0x2800  }
0x68: {  	_ =	swait.ge [sflag:s9], $0x2800  }
0x69: {  	[sflag:s9] =	ssyncset.done $0x0  }
0x6a: {  	[sflag:s9] =	ssyncadd.s32 $0xFFFFD800  }
0x6b: {  	_ =	sfence.sel $0x180000  }
0x6c: {  	[bflag:$0x0] =	sbarrier.arrive $0xFFFF  }
0x6d: {  	p0 =	sne.s32 s0, $0x0;
	_ =	strace $0x9000004A  }
0x6e: {  	s0 =	sadd.s32 @!p0 $0x100000, s1;
	[bflag:$0x2] =	sbarrier.arrive $0xFFFF  }
0x6f: {  	[sflag:s0] =	ssyncadd.tile.s32 @!p0 $0x1;
	_ =	shalt  }
.Lfunc_end2:
_tile_overlayer_lowered:
.L_overlay_start_2:
0x70: {  	(tag) =	ssettag $0x2  }
0x71: {  	s0 =	rddreg [dreg:$0x0];
	s2 =	stileid.u32  }
0x72: {  	s1 =	rddreg [dreg:$0x1];
	p0 =	sne.s32 s2, $0x0  }
0x73: {  	s3 =	rddreg [dreg:$0x2];
	[bflag:$0x3] =	sbarrier.arrive $0xFFFF;
	s2 =	simm.s32 @!p0 $0x1C04  }
0x74: {  	[timem:s3], [sflag:s2] =	dma.local @!p0 [hbm:s0], s1  }
0x75: {  	s0 =	simm.s32 @!p0 $0x4  }
0x76: {  	_ =	swait.ge @!p0 [sflag:s0], s1  }
0x77: {  	s1 =	ssub.s32 @!p0 $0x0, s1;
	[sflag:s0] =	ssyncset.done @!p0 $0x0  }
0x78: {  	[sflag:s0] =	ssyncadd.s32 @!p0 s1  }
0x79: {  	[bflag:$0x3] =	sbarrier.arrive $0xFFFF  }
0x7a: {  	_ =	shalt  }

// kernel: kernel.14.cloned.1.call-start
scs
__scs_entry_jumppad:
0x0: {  	(pc) =	sbr.rel $0x88, $3  }
0x1: {  	(tag) =	ssettag $0x0;
	lr =	simm.s32 $0x1  }
0x2: {  	[smem:$0x3F9B] =	sst lr;
	_ =	strace $0xD0000000  }
0x3: {  	_ = 	snop  }
0x4: {  	_ = 	snop  }
0x5: {  	_ = 	snop  }
0x6: {  	_ = 	snop  }
0x7: {  	_ = 	snop  }
__scs_overlays_trampoline_lowered:
0x8: {  	[smem:$0x3FAA] =	sst s0  }
0x9: {  	[smem:$0x3FAB] =	sst s1  }
0xa: {  	[smem:$0x3FAC] =	sst s2  }
0xb: {  	[smem:$0x3FAD] =	sst s3  }
0xc: {  	[smem:$0x3FAE] =	sst s4  }
0xd: {  	[smem:$0x3FAF] =	sst s5  }
0xe: {  	[smem:$0x3FB0] =	sst s6  }
0xf: {  	[smem:$0x3FB1] =	sst s7  }
0x10: {  	[smem:$0x3FB2] =	sst s8  }
0x11: {  	[smem:$0x3FB3] =	sst s9;
	s0 =	simm.s32 @!p0 $0x0  }
0x12: {  	s1 =	sld [smem:$0x3F99];
	s0 =	simm.s32 @p0 $0x1  }
0x13: {  	[smem:$0x3FB4] =	sst s0;
	s0 =	simm.s32 @!p1 $0x0  }
0x14: {  	s2 =	sld [smem:$0x3F98];
	s0 =	simm.s32 @p1 $0x1  }
0x15: {  	[smem:$0x3FB5] =	sst s0;
	s0 =	simm.s32 @!p2 $0x0  }
0x16: {  	s3 =	sld [smem:$0x3FDB];
	s0 =	simm.s32 @p2 $0x1  }
0x17: {  	s4 =	simm.s32 $0x1BF5;
	[smem:$0x3FB7] =	sst s0  }
0x18: {  	s0 =	sld [smem:$0x3F9A];
	_ =	swait.ge [sflag:s4], $0x0  }
0x19: {  	s7 =	sld [smem:$0x3F9B]  }
0x1a: {  	s8 =	sadd.s32 $0xFFFFE003, lr  }
0x1b: {  	s9 =	sadd.s32 $0xFFFFFEF7, lr;
	s5 =	simm.s32 $0xFFFFFFFF;
	p2 =	slt.u32 s8, $0xFFFFF086  }
0x1c: {  	p1 =	slt.u32 s9, $0xF7A;
	s5 =	simm.s32 @!p2 $0x0  }
0x1d: {  	s5 =	simm.s32 @p1 $0x1;
	p0 =	seq.s32 s7, s2  }
0x1e: {  	s7 =	smul.u32 @!p0 $0xF7A, s2;
	p2 =	seq.s32 @!p0 s5, $0x0  }
0x1f: {  	s9 =	smul.u32 $0xF7A, s1;
	s8 =	simm.s32 @!p0 $0x1BF5;
	p2 =	por !p2, p0  }
0x20: {  	[sflag:s8] =	ssyncset.s32 @!p0 $0xFFFFF086;
	s6 =	sadd.s32 @!p0 s3, s7;
	s7 =	simm.s32 @!p0 $0x108  }
0x21: {  	s3 =	sadd.s32 s3, s9;
	s6 =	sadd.s32 @!p0 $0x88, s6;
	s7 =	simm.s32 @p2 $0x1082  }
0x22: {  	[simem:s7], [sflag:s8] =	dma.local @!p0 [hbm:s6], $0xF7A  }
0x23: {  	s9 =	sor.u32 $0xD0000000, s2;
	s6 =	simm.s32 $0x108;
	_ =	swait.ge @!p0 [sflag:s8], $0x0  }
0x24: {  	s3 =	sadd.s32 $0x88, s3;
	s6 =	simm.s32 @!p1 $0x1082;
	[sflag:s4] =	ssyncset.s32 $0xFFFFF086  }
0x25: {  	[simem:s6], [sflag:s4] =	dma.local [hbm:s3], $0xF7A  }
0x26: {  	[smem:$0x3F9B] =	sst s1;
	(tag) =	ssettag s2;
	_ =	strace s9  }
0x27: {  	s1 =	sld [smem:$0x3FAB]  }
0x28: {  	s2 =	sld [smem:$0x3FAC]  }
0x29: {  	s4 =	sld [smem:$0x3FAE]  }
0x2a: {  	p0 =	seq.s32 s5, $0x0;
	s5 =	sld [smem:$0x3FAF]  }
0x2b: {  	s6 =	sld [smem:$0x3FB0]  }
0x2c: {  	s7 =	sld [smem:$0x3FB1]  }
0x2d: {  	s3 =	simm.s32 $0x108;
	s8 =	sld [smem:$0x3FB2]  }
0x2e: {  	s3 =	simm.s32 @!p0 $0x1082;
	s9 =	sld [smem:$0x3FB3]  }
0x2f: {  	lr =	sadd.s32 s0, s3;
	s0 =	sld [smem:$0x3FAA]  }
0x30: {  	s3 =	sld [smem:$0x3FAD]  }
0x31: {  	[smem:$0x3FB6] =	sst s10  }
0x32: {  	s10 =	sld [smem:$0x3FB4];
	_ =	sdelay $0x3  }
0x33: {  	p0 =	seq.s32 s10, $0x1;
	s10 =	sld [smem:$0x3FB6];
	_ =	sdelay $0x3  }
0x34: {  	[smem:$0x3FB6] =	sst s10  }
0x35: {  	s10 =	sld [smem:$0x3FB5];
	_ =	sdelay $0x3  }
0x36: {  	p1 =	seq.s32 s10, $0x1;
	s10 =	sld [smem:$0x3FB6];
	_ =	sdelay $0x3  }
0x37: {  	[smem:$0x3FB6] =	sst s10  }
0x38: {  	s10 =	sld [smem:$0x3FB7]  }
0x39: {  	_ = 	snop;
	(pc) =	sbr.ind lr, $3  }
0x3a: {  	_ = 	snop  }
0x3b: {  	_ = 	snop  }
0x3c: {  	p2 =	seq.s32 s10, $0x1;
	s10 =	sld [smem:$0x3FB6]  }
0x3d: {  	_ =	shalt  }
0x3e: {  	_ =	shalt  }
0x3f: {  	_ =	shalt  }
0x40: {  	_ =	shalt  }
0x41: {  	_ =	shalt  }
0x42: {  	_ =	shalt  }
0x43: {  	_ =	shalt  }
0x44: {  	_ =	shalt  }
0x45: {  	_ =	shalt  }
0x46: {  	_ =	shalt  }
0x47: {  	_ =	shalt  }
0x48: {  	_ =	shalt  }
0x49: {  	_ =	shalt  }
0x4a: {  	_ =	shalt  }
0x4b: {  	_ =	shalt  }
0x4c: {  	_ =	shalt  }
0x4d: {  	_ =	shalt  }
0x4e: {  	_ =	shalt  }
0x4f: {  	_ =	shalt  }
0x50: {  	_ =	shalt  }
0x51: {  	_ =	shalt  }
0x52: {  	_ =	shalt  }
0x53: {  	_ =	shalt  }
0x54: {  	_ =	shalt  }
0x55: {  	_ =	shalt  }
0x56: {  	_ =	shalt  }
0x57: {  	_ =	shalt  }
0x58: {  	_ =	shalt  }
0x59: {  	_ =	shalt  }
0x5a: {  	_ =	shalt  }
0x5b: {  	_ =	shalt  }
0x5c: {  	_ =	shalt  }
0x5d: {  	_ =	shalt  }
0x5e: {  	_ =	shalt  }
0x5f: {  	_ =	shalt  }
0x60: {  	_ =	shalt  }
0x61: {  	_ =	shalt  }
0x62: {  	_ =	shalt  }
0x63: {  	_ =	shalt  }
0x64: {  	_ =	shalt  }
0x65: {  	_ =	shalt  }
0x66: {  	_ =	shalt  }
0x67: {  	_ =	shalt  }
0x68: {  	_ =	shalt  }
0x69: {  	_ =	shalt  }
0x6a: {  	_ =	shalt  }
0x6b: {  	_ =	shalt  }
0x6c: {  	_ =	shalt  }
0x6d: {  	_ =	shalt  }
0x6e: {  	_ =	shalt  }
0x6f: {  	_ =	shalt  }
0x70: {  	_ =	shalt  }
0x71: {  	_ =	shalt  }
0x72: {  	_ =	shalt  }
0x73: {  	_ =	shalt  }
0x74: {  	_ =	shalt  }
0x75: {  	_ =	shalt  }
0x76: {  	_ =	shalt  }
0x77: {  	_ =	shalt  }
0x78: {  	_ =	shalt  }
0x79: {  	_ =	shalt  }
0x7a: {  	_ =	shalt  }
0x7b: {  	_ =	shalt  }
0x7c: {  	_ =	shalt  }
0x7d: {  	_ =	shalt  }
0x7e: {  	_ =	shalt  }
0x7f: {  	_ =	shalt  }
0x80: {  	_ =	shalt  }
0x81: {  	_ =	shalt  }
0x82: {  	_ =	shalt  }
0x83: {  	_ =	shalt  }
0x84: {  	_ =	shalt  }
0x85: {  	_ =	shalt  }
0x86: {  	_ =	shalt  }
0x87: {  	_ =	shalt  }
.Lfunc_end0:
.L_simem_size_0:
called_computation.2_lowered:
.L_overlay_start_0:
0x88: {  	s2 =	sld [smem:$0x3FD9]  }
0x89: {  	s3 =	sld [smem:$0x3FFE];
	_ =	sdelay $0x1  }
0x8a: {  	s1 =	srdreg.scid  }
0x8b: {  	s0 =	sand.u32 $0x1, s1  }
0x8c: {  	s16 =	sshll.u32 s0, $0xA;
	s2 =	sadd.s32 s3, s2  }
0x8d: {  	s2 =	sadd.s32 s2, s16  }
0x8e: {  	[smem:$0x3FC2] =	sst s2  }
0x8f: {  	_ = 	snop  }
0x90: {  	(tm) =	ssettm $0x1  }
0x91: {  	s17 =	sld [smem:$0x3FFB];
	_ =	sdelay $0x3  }
0x92: {  	_ =	strace s17  }
0x93: {  	s2 =	sld [smem:$0x3FFC];
	_ =	sdelay $0x3  }
0x94: {  	_ =	strace s2  }
0x95: {  	s2 =	sld [smem:$0x3FFD];
	_ =	sdelay $0x3  }
0x96: {  	_ =	strace s2  }
0x97: {  	_ =	strace $0x8FFFFFFF  }
0x98: {  	s18 =	sld [smem:$0x3FDB];
	_ =	sdelay $0x1  }
0x99: {  	s19 =	simm.s32 $_scs_section_size  }
0x9a: {  	s4 =	simm.s32 $_size__tile_overlayer_lowered;
	s5 =	simm.s32 $_tile_overlayer_lowered  }
0x9b: {  	s22 =	simm.s32 $0x1BFF;
	s21 =	sshll.u32 s5, $0x1;
	s2 =	sadd.s32 s19, s18  }
0x9c: {  	s6 =	simm.s32 $0x0;
	s20 =	sshll.u32 s4, $0x1;
	s4 =	sadd.s32 s21, s2  }
0x9d: {  	[timem:s6], [sflag:s22] =	dma.local [hbm:s4], s20  }
0x9e: {  	_ =	swait.ge [sflag:s22], s20  }
0x9f: {  	s3 =	ssub.s32 $0x0, s20;
	[sflag:s22] =	ssyncset.done $0x0  }
0xa0: {  	[sflag:s22] =	ssyncadd.s32 s3;
	_ =	sdelay $0x1  }
0xa1: {  	s23 =	simm.s32 $0x1B8B  }
0xa2: {  	_ =	swait.ge [sflag:s23], $0x1  }
0xa3: {  	[sflag:s23] =	ssyncset.done $0x0  }
0xa4: {  	s25 =	simm.s32 $0x1B8E;
	s24 =	sld [smem:$0x3FFE];
	[sflag:s23] =	ssyncadd.s32 $0xFFFFFFFF  }
0xa5: {  	s26 =	simm.s32 $execute0_lowered;
	[smem:$0x3FD2] =	sst s25  }
0xa6: {  	s4 =	sshll.u32 s26, $0x1;
	_ =	strace $0x8000004C;
	[dreg:$0x1] =	wrdreg $0xFFFFFFFF  }
0xa7: {  	s28 =	simm.s32 $_size_execute0_lowered;
	s2 =	sadd.s32 s2, s4;
	[dreg:$0x0] =	wrdreg $0x0  }
0xa8: {  	s4 =	sshll.u32 s28, $0x1;
	[dreg:$0x2] =	wrdreg s2  }
0xa9: {  	[dreg:$0x3] =	wrdreg s4  }
0xaa: {  	[dreg:$0x4] =	wrdreg $0xC0  }
0xab: {  	_ =	task [dreg:s6], $0x5FFFF  }
0xac: {  	[dreg:$0x1] =	wrdreg $0xFFFFFFFF  }
0xad: {  	[dreg:$0x0] =	wrdreg $0x60  }
0xae: {  	[dreg:$0x2] =	wrdreg s24  }
0xaf: {  	[dreg:$0x3] =	wrdreg $0xB4000  }
0xb0: {  	[dreg:$0x4] =	wrdreg $0x9  }
0xb1: {  	_ =	task.clear_ibuf [dreg:s6], $0x5FFFF;
	_ =	strace $0x9000004C  }
0xb2: {  	s29 =	simm.s32 $0x9;
	_ =	strace $0x8000004E  }
0xb3: {  	_ =	swait.ge [sflag:s29], $0x1  }
0xb4: {  	[sflag:s29] =	ssyncadd.s32 $0xFFFFFFFF  }
0xb5: {  	_ =	strace $0x9000004E  }
0xb6: {  	_ =	sfence  }
0xb7: {  	s30 =	sld [smem:$0x0];
	_ =	sdelay $0x2  }
0xb8: {  	s31 =	sshll.u32 s1, $0xD;
	s1 =	sshrl.u32 s1, $0x2  }
0xb9: {  	s3 =	sand.u32 $0x4000, s31;
	s1 =	sadd.s32 s1, s30  }
0xba: {  	s0 =	sor.u32 s3, s0;
	s1 =	sshll.u32 s1, $0x11  }
0xbb: {  	s0 =	sor.u32 s1, s0  }
0xbc: {  	s0 =	sadd.s32 $0x8F2B, s0  }
0xbd: {  	[sflag:s0] =	ssyncadd.remote.s32 $0x1  }
0xbe: {  	_ =	sfence.sel $0xFFFF  }
0xbf: {  	[dreg:$0x0] =	wrdreg $0xFFFFFFFF;
	(pc) =	sbr.abs _section_cstart, $3  }
0xc0: {  	[dreg:$0x1] =	wrdreg $0xFFFFFFFF  }
0xc1: {  	_ =	task.clear_ibuf [dreg:s6], $0x2FFFF;
	_ =	strace $0x9FFFFFFF  }
0xc2: {  	(tm) =	ssettm $0x7FFFFFFF  }
0xc3: {  	_ =	shalt  }
tec
execute0_lowered:
.L_overlay_start_1:
0x0: {  	(tag) =	ssettag $0x1  }
0x1: {  	s6 =	rddreg [dreg:$0x0]  }
0x2: {  	s0 =	srdreg.scid;
	s2 =	rddreg [dreg:$0x1]  }
0x3: {  	s3 =	simm.s32 $0x0;
	s13 =	simm.s32 $0x5400;
	s14 =	simm.s32 $0xC0  }
0x4: {  	s15 =	simm.s32 $0x7400;
	s16 =	simm.s32 $0x140;
	s17 =	simm.s32 $0x9400  }
0x5: {  	s18 =	simm.s32 $0x1;
	s19 =	simm.s32 $0x2;
	s20 =	simm.s32 $0x3  }
0x6: {  	s21 =	simm.s32 $0x4F80;
	s5 =	sand.u32 $0x1, s0;
	s0 =	stileid.u32  }
0x7: {  	s22 =	simm.s32 $0x5000;
	s23 =	simm.s32 $0x5080;
	s7 =	smul.u32 $0x14000, s0  }
0x8: {  	s24 =	simm.s32 $0x0;
	[smem:$0x7FF] =	sst s3;
	s8 =	smul.u32 $0x140000, s5  }
0x9: {  	s1 =	sshll.u32 s5, $0x4;
	s5 =	ssub.s32 $0x2, s5;
	s28 =	smul.u32 $0x50000, s0  }
0xa: {  	s31 =	sshll.u32 s0, $0x6;
	s1 =	sor.u32 s0, s1;
	s29 =	sshrl.u32 s5, $0x1  }
0xb: {  	s4 =	smul.u32 $0xA80, s1;
	s1 =	rddreg [dreg:$0x2];
	_ =	strace $0x8000004D  }
0xc: {  	s10 =	sshrl.u32 s7, $0x3;
	s7 =	sadd.s32 s7, s8;
	s11 =	ssub.s32 s5, s29  }
0xd: {  	s30 =	sshrl.u32 s28, $0x2;
	s7 =	sshrl.u32 s7, $0x3;
	s10 =	sadd.s32 s10, s6  }
0xe: {  	s12 =	sadd.s32 s30, s2;
	s8 =	smax.u32 s11, $0x1;
	s9 =	sadd.s32 s4, s6  }
0xf: {  	s4 =	sadd.s32 $0x8EE00, s6;
	s7 =	sadd.s32 s7, s6;
	s6 =	sadd.s32 $0x16E00, s10  }
0x10: {  	s10 =	sor.u32 $0x1C04, s31;
	s11 =	sshrl.u32 s12, $0x3;
	s12 =	simm.s32 $0x40  }
0x11: {  	s5 =	sadd.s32 $0x1E00, s9;
	s7 =	sadd.s32 $0xB6000, s7;
	s9 =	simm.s32 $0x4  }
.LBB2_1:
0x12: {  	[tilespmem:s3], [sflag:$0x4] =	stream.linear.gather [hbm4b:s5+s3], $0x5100, $0x38;
	[tilespmem:$0x1F400] =	vst v63  }
0x13: {  	_ =	swait.ge [sflag:s9], $0x5100  }
0x14: {  	[sflag:s9] =	ssyncset.done $0x0  }
0x15: {  	[sflag:s9] =	ssyncadd.s32 $0xFFFFAF00  }
0x16: {  	[spmem:s11], [sflag:s10] =	dma.local [hbm:s6], $0x2800  }
0x17: {  	_ =	swait.ge [sflag:s9], $0x2800  }
0x18: {  	[sflag:s9] =	ssyncset.done $0x0  }
0x19: {  	[sflag:s9] =	ssyncadd.s32 $0xFFFFD800  }
0x1a: {  	[bflag:$0x0] =	sbarrier.arrive $0xFFFF  }
0x1b: {  	[tilespmem:s13], [sflag:$0x1] =	stream.indirect.gather [hbm4b:s4+s12], $0x80, s12, s12, $0xb8;
	[tilespmem:$0x1F400] =	vst v63  }
0x1c: {  	_ = 	snop  }
0x1d: {  	[tilespmem:s15], [sflag:$0x2] =	stream.indirect.gather [hbm4b:s4+s12], $0x80, s14, s12, $0xb8;
	[tilespmem:$0x1F400] =	vst v63  }
0x1e: {  	_ = 	snop  }
0x1f: {  	[tilespmem:s17], [sflag:$0x3] =	stream.indirect.gather [hbm4b:s4+s12], $0x80, s16, s12, $0xb8;
	[tilespmem:$0x1F400] =	vst v63  }
0x20: {  	_ =	swait.ge [sflag:s18], $0x2000  }
0x21: {  	[sflag:s18] =	ssyncset.done $0x0  }
0x22: {  	s25 =	simm.s32 $0x0;
	[sflag:s18] =	ssyncadd.s32 $0xFFFFE000  }
0x23: {  	[spmem:s2] =	stream.indirect.scatter.add.f32 [tilespmem:s13], [sflag:$0x4], $0x80, s25, s12, $0xb8;
	[tilespmem:$0x1F400] =	vst v63  }
0x24: {  	_ =	swait.ge [sflag:s9], $0x2000  }
0x25: {  	[sflag:s9] =	ssyncset.done $0x0  }
0x26: {  	s28 =	simm.s32 $0x1C0;
	[sflag:s9] =	ssyncadd.s32 $0xFFFFE000  }
0x27: {  	[tilespmem:s13], [sflag:$0x1] =	stream.indirect.gather [hbm4b:s4+s12], $0x80, s28, s12, $0xb8;
	[tilespmem:$0x1F400] =	vst v63  }
0x28: {  	_ =	swait.ge [sflag:s19], $0x2000  }
0x29: {  	[sflag:s19] =	ssyncset.done $0x0  }
0x2a: {  	s29 =	simm.s32 $0x80;
	[sflag:s19] =	ssyncadd.s32 $0xFFFFE000  }
0x2b: {  	[spmem:s2] =	stream.indirect.scatter.add.f32 [tilespmem:s15], [sflag:$0x4], $0x80, s29, s12, $0xb8;
	[tilespmem:$0x1F400] =	vst v63  }
0x2c: {  	_ =	swait.ge [sflag:s9], $0x2000  }
0x2d: {  	[sflag:s9] =	ssyncset.done $0x0  }
0x2e: {  	s30 =	simm.s32 $0x240;
	[sflag:s9] =	ssyncadd.s32 $0xFFFFE000  }
0x2f: {  	[tilespmem:s15], [sflag:$0x2] =	stream.indirect.gather [hbm4b:s4+s12], $0x80, s30, s12, $0xb8;
	[tilespmem:$0x1F400] =	vst v63  }
0x30: {  	_ =	swait.ge [sflag:s20], $0x2000  }
0x31: {  	[sflag:s20] =	ssyncset.done $0x0  }
0x32: {  	s31 =	simm.s32 $0x100;
	[sflag:s20] =	ssyncadd.s32 $0xFFFFE000  }
0x33: {  	[spmem:s2] =	stream.indirect.scatter.add.f32 [tilespmem:s17], [sflag:$0x4], $0x80, s31, s12, $0xb8;
	[tilespmem:$0x1F400] =	vst v63  }
0x34: {  	_ =	swait.ge [sflag:s9], $0x2000  }
0x35: {  	[sflag:s9] =	ssyncset.done $0x0  }
0x36: {  	s26 =	simm.s32 $0x2C0;
	s25 =	simm.s32 $0x600;
	[sflag:s9] =	ssyncadd.s32 $0xFFFFE000  }
.LBB2_2:
0x37: {  	[tilespmem:s17], [sflag:$0x3] =	stream.indirect.gather [hbm4b:s4+s12], $0x80, s26, s12, $0xb8;
	[tilespmem:$0x1F400] =	vst v63  }
0x38: {  	s26 =	smov.u32 s25  }
0x39: {  	p0 =	sne.s32 s25, $0x13800;
	s25 =	sadd.s32 $0x600, s25;
	_ =	swait.ge [sflag:s18], $0x2000  }
0x3a: {  	[sflag:s18] =	ssyncset.done $0x0  }
0x3b: {  	s26 =	sshra.s32 s26, $0x2;
	[sflag:s18] =	ssyncadd.s32 $0xFFFFE000  }
0x3c: {  	[spmem:s2] =	stream.indirect.scatter.add.f32 [tilespmem:s13], [sflag:$0x4], $0x80, s26, s12, $0xb8;
	[tilespmem:$0x1F400] =	vst v63  }
0x3d: {  	_ =	swait.ge [sflag:s9], $0x2000  }
0x3e: {  	[sflag:s9] =	ssyncset.done $0x0  }
0x3f: {  	s28 =	sadd.s32 $0x1C0, s26;
	[sflag:s9] =	ssyncadd.s32 $0xFFFFE000  }
0x40: {  	[tilespmem:s13], [sflag:$0x1] =	stream.indirect.gather [hbm4b:s4+s12], $0x80, s28, s12, $0xb8;
	[tilespmem:$0x1F400] =	vst v63  }
0x41: {  	_ =	swait.ge [sflag:s19], $0x2000  }
0x42: {  	[sflag:s19] =	ssyncset.done $0x0  }
0x43: {  	s28 =	sadd.s32 $0x80, s26;
	[sflag:s19] =	ssyncadd.s32 $0xFFFFE000  }
0x44: {  	[spmem:s2] =	stream.indirect.scatter.add.f32 [tilespmem:s15], [sflag:$0x4], $0x80, s28, s12, $0xb8;
	[tilespmem:$0x1F400] =	vst v63  }
0x45: {  	_ =	swait.ge [sflag:s9], $0x2000  }
0x46: {  	[sflag:s9] =	ssyncset.done $0x0  }
0x47: {  	s28 =	sadd.s32 $0x240, s26;
	[sflag:s9] =	ssyncadd.s32 $0xFFFFE000  }
0x48: {  	[tilespmem:s15], [sflag:$0x2] =	stream.indirect.gather [hbm4b:s4+s12], $0x80, s28, s12, $0xb8;
	[tilespmem:$0x1F400] =	vst v63  }
0x49: {  	_ =	swait.ge [sflag:s20], $0x2000  }
0x4a: {  	[sflag:s20] =	ssyncset.done $0x0  }
.Ltmp0:
0x4b: {  	s28 =	sadd.s32 $0x100, s26;
	[sflag:s20] =	ssyncadd.s32 $0xFFFFE000;
	(pc) =	sbr.rel @p0 .LBB2_2-.Ltmp0, $4  }
0x4c: {  	[spmem:s2] =	stream.indirect.scatter.add.f32 [tilespmem:s17], [sflag:$0x4], $0x80, s28, s12, $0xb8;
	[tilespmem:$0x1F400] =	vst v63  }
0x4d: {  	_ =	swait.ge [sflag:s9], $0x2000  }
0x4e: {  	[sflag:s9] =	ssyncset.done $0x0  }
0x4f: {  	s26 =	sadd.s32 $0x2C0, s26;
	[sflag:s9] =	ssyncadd.s32 $0xFFFFE000  }
0x50: {  	[tilespmem:s17], [sflag:$0x3] =	stream.indirect.gather [hbm4b:s4+s12], $0x80, s26, s12, $0xb8;
	[tilespmem:$0x1F400] =	vst v63  }
0x51: {  	_ =	swait.ge [sflag:s18], $0x2000  }
0x52: {  	[sflag:s18] =	ssyncset.done $0x0  }
0x53: {  	[sflag:s18] =	ssyncadd.s32 $0xFFFFE000  }
0x54: {  	[spmem:s2] =	stream.indirect.scatter.add.f32 [tilespmem:s13], [sflag:$0x4], $0x80, s21, s12, $0xb8;
	[tilespmem:$0x1F400] =	vst v63  }
0x55: {  	_ =	swait.ge [sflag:s9], $0x2000  }
0x56: {  	[sflag:s9] =	ssyncset.done $0x0  }
0x57: {  	[sflag:s9] =	ssyncadd.s32 $0xFFFFE000  }
0x58: {  	_ =	swait.ge [sflag:s19], $0x2000  }
0x59: {  	[sflag:s19] =	ssyncset.done $0x0  }
0x5a: {  	[sflag:s19] =	ssyncadd.s32 $0xFFFFE000  }
0x5b: {  	[spmem:s2] =	stream.indirect.scatter.add.f32 [tilespmem:s15], [sflag:$0x4], $0x80, s22, s12, $0xb8;
	[tilespmem:$0x1F400] =	vst v63  }
0x5c: {  	_ =	swait.ge [sflag:s9], $0x2000  }
0x5d: {  	[sflag:s9] =	ssyncset.done $0x0  }
0x5e: {  	[sflag:s9] =	ssyncadd.s32 $0xFFFFE000  }
0x5f: {  	_ =	swait.ge [sflag:s20], $0x2000  }
0x60: {  	[sflag:s20] =	ssyncset.done $0x0  }
0x61: {  	[sflag:s20] =	ssyncadd.s32 $0xFFFFE000  }
0x62: {  	[spmem:s2] =	stream.indirect.scatter.add.f32 [tilespmem:s17], [sflag:$0x4], $0x80, s23, s12, $0xb8;
	[tilespmem:$0x1F400] =	vst v63  }
0x63: {  	_ =	swait.ge [sflag:s9], $0x2000  }
0x64: {  	s24 =	sadd.s32 $0x1, s24;
	[sflag:s9] =	ssyncset.done $0x0  }
0x65: {  	p0 =	sne.s32 s24, s8;
	[sflag:s9] =	ssyncadd.s32 $0xFFFFE000  }
.Ltmp1:
0x66: {  	[bflag:$0x0] =	sbarrier.arrive $0xFFFF;
	(pc) =	sbr.rel @p0 .LBB2_1-.Ltmp1, $4  }
0x67: {  	[hbm:s7], [sflag:s10] =	dma.local [spmem:s11], $0x2800  }
0x68: {  	_ =	swait.ge [sflag:s9], $0x2800  }
0x69: {  	[sflag:s9] =	ssyncset.done $0x0  }
0x6a: {  	[sflag:s9] =	ssyncadd.s32 $0xFFFFD800  }
0x6b: {  	_ =	sfence.sel $0x180000  }
0x6c: {  	[bflag:$0x0] =	sbarrier.arrive $0xFFFF  }
0x6d: {  	p0 =	sne.s32 s0, $0x0;
	_ =	strace $0x9000004D  }
0x6e: {  	s0 =	sadd.s32 @!p0 $0x100000, s1;
	[bflag:$0x2] =	sbarrier.arrive $0xFFFF  }
0x6f: {  	[sflag:s0] =	ssyncadd.tile.s32 @!p0 $0x1;
	_ =	shalt  }
.Lfunc_end2:
_tile_overlayer_lowered:
.L_overlay_start_2:
0x70: {  	(tag) =	ssettag $0x2  }
0x71: {  	s0 =	rddreg [dreg:$0x0];
	s2 =	stileid.u32  }
0x72: {  	s1 =	rddreg [dreg:$0x1];
	p0 =	sne.s32 s2, $0x0  }
0x73: {  	s3 =	rddreg [dreg:$0x2];
	[bflag:$0x3] =	sbarrier.arrive $0xFFFF;
	s2 =	simm.s32 @!p0 $0x1C04  }
0x74: {  	[timem:s3], [sflag:s2] =	dma.local @!p0 [hbm:s0], s1  }
0x75: {  	s0 =	simm.s32 @!p0 $0x4  }
0x76: {  	_ =	swait.ge @!p0 [sflag:s0], s1  }
0x77: {  	s1 =	ssub.s32 @!p0 $0x0, s1;
	[sflag:s0] =	ssyncset.done @!p0 $0x0  }
0x78: {  	[sflag:s0] =	ssyncadd.s32 @!p0 s1  }
0x79: {  	[bflag:$0x3] =	sbarrier.arrive $0xFFFF  }
0x7a: {  	_ =	shalt  }

// kernel: kernel.8.cloned.1.call-start
scs
__scs_entry_jumppad:
0x0: {  	(pc) =	sbr.rel $0x88, $3  }
0x1: {  	(tag) =	ssettag $0x0;
	lr =	simm.s32 $0x1  }
0x2: {  	[smem:$0x3F9B] =	sst lr;
	_ =	strace $0xD0000000  }
0x3: {  	_ = 	snop  }
0x4: {  	_ = 	snop  }
0x5: {  	_ = 	snop  }
0x6: {  	_ = 	snop  }
0x7: {  	_ = 	snop  }
__scs_overlays_trampoline_lowered:
0x8: {  	[smem:$0x3FAA] =	sst s0  }
0x9: {  	[smem:$0x3FAB] =	sst s1  }
0xa: {  	[smem:$0x3FAC] =	sst s2  }
0xb: {  	[smem:$0x3FAD] =	sst s3  }
0xc: {  	[smem:$0x3FAE] =	sst s4  }
0xd: {  	[smem:$0x3FAF] =	sst s5  }
0xe: {  	[smem:$0x3FB0] =	sst s6  }
0xf: {  	[smem:$0x3FB1] =	sst s7  }
0x10: {  	[smem:$0x3FB2] =	sst s8  }
0x11: {  	[smem:$0x3FB3] =	sst s9;
	s0 =	simm.s32 @!p0 $0x0  }
0x12: {  	s1 =	sld [smem:$0x3F99];
	s0 =	simm.s32 @p0 $0x1  }
0x13: {  	[smem:$0x3FB4] =	sst s0;
	s0 =	simm.s32 @!p1 $0x0  }
0x14: {  	s2 =	sld [smem:$0x3F98];
	s0 =	simm.s32 @p1 $0x1  }
0x15: {  	[smem:$0x3FB5] =	sst s0;
	s0 =	simm.s32 @!p2 $0x0  }
0x16: {  	s3 =	sld [smem:$0x3FDB];
	s0 =	simm.s32 @p2 $0x1  }
0x17: {  	s4 =	simm.s32 $0x1BF5;
	[smem:$0x3FB7] =	sst s0  }
0x18: {  	s0 =	sld [smem:$0x3F9A];
	_ =	swait.ge [sflag:s4], $0x0  }
0x19: {  	s7 =	sld [smem:$0x3F9B]  }
0x1a: {  	s8 =	sadd.s32 $0xFFFFE003, lr  }
0x1b: {  	s9 =	sadd.s32 $0xFFFFFEF7, lr;
	s5 =	simm.s32 $0xFFFFFFFF;
	p2 =	slt.u32 s8, $0xFFFFF086  }
0x1c: {  	p1 =	slt.u32 s9, $0xF7A;
	s5 =	simm.s32 @!p2 $0x0  }
0x1d: {  	s5 =	simm.s32 @p1 $0x1;
	p0 =	seq.s32 s7, s2  }
0x1e: {  	s7 =	smul.u32 @!p0 $0xF7A, s2;
	p2 =	seq.s32 @!p0 s5, $0x0  }
0x1f: {  	s9 =	smul.u32 $0xF7A, s1;
	s8 =	simm.s32 @!p0 $0x1BF5;
	p2 =	por !p2, p0  }
0x20: {  	[sflag:s8] =	ssyncset.s32 @!p0 $0xFFFFF086;
	s6 =	sadd.s32 @!p0 s3, s7;
	s7 =	simm.s32 @!p0 $0x108  }
0x21: {  	s3 =	sadd.s32 s3, s9;
	s6 =	sadd.s32 @!p0 $0x88, s6;
	s7 =	simm.s32 @p2 $0x1082  }
0x22: {  	[simem:s7], [sflag:s8] =	dma.local @!p0 [hbm:s6], $0xF7A  }
0x23: {  	s9 =	sor.u32 $0xD0000000, s2;
	s6 =	simm.s32 $0x108;
	_ =	swait.ge @!p0 [sflag:s8], $0x0  }
0x24: {  	s3 =	sadd.s32 $0x88, s3;
	s6 =	simm.s32 @!p1 $0x1082;
	[sflag:s4] =	ssyncset.s32 $0xFFFFF086  }
0x25: {  	[simem:s6], [sflag:s4] =	dma.local [hbm:s3], $0xF7A  }
0x26: {  	[smem:$0x3F9B] =	sst s1;
	(tag) =	ssettag s2;
	_ =	strace s9  }
0x27: {  	s1 =	sld [smem:$0x3FAB]  }
0x28: {  	s2 =	sld [smem:$0x3FAC]  }
0x29: {  	s4 =	sld [smem:$0x3FAE]  }
0x2a: {  	p0 =	seq.s32 s5, $0x0;
	s5 =	sld [smem:$0x3FAF]  }
0x2b: {  	s6 =	sld [smem:$0x3FB0]  }
0x2c: {  	s7 =	sld [smem:$0x3FB1]  }
0x2d: {  	s3 =	simm.s32 $0x108;
	s8 =	sld [smem:$0x3FB2]  }
0x2e: {  	s3 =	simm.s32 @!p0 $0x1082;
	s9 =	sld [smem:$0x3FB3]  }
0x2f: {  	lr =	sadd.s32 s0, s3;
	s0 =	sld [smem:$0x3FAA]  }
0x30: {  	s3 =	sld [smem:$0x3FAD]  }
0x31: {  	[smem:$0x3FB6] =	sst s10  }
0x32: {  	s10 =	sld [smem:$0x3FB4];
	_ =	sdelay $0x3  }
0x33: {  	p0 =	seq.s32 s10, $0x1;
	s10 =	sld [smem:$0x3FB6];
	_ =	sdelay $0x3  }
0x34: {  	[smem:$0x3FB6] =	sst s10  }
0x35: {  	s10 =	sld [smem:$0x3FB5];
	_ =	sdelay $0x3  }
0x36: {  	p1 =	seq.s32 s10, $0x1;
	s10 =	sld [smem:$0x3FB6];
	_ =	sdelay $0x3  }
0x37: {  	[smem:$0x3FB6] =	sst s10  }
0x38: {  	s10 =	sld [smem:$0x3FB7]  }
0x39: {  	_ = 	snop;
	(pc) =	sbr.ind lr, $3  }
0x3a: {  	_ = 	snop  }
0x3b: {  	_ = 	snop  }
0x3c: {  	p2 =	seq.s32 s10, $0x1;
	s10 =	sld [smem:$0x3FB6]  }
0x3d: {  	_ =	shalt  }
0x3e: {  	_ =	shalt  }
0x3f: {  	_ =	shalt  }
0x40: {  	_ =	shalt  }
0x41: {  	_ =	shalt  }
0x42: {  	_ =	shalt  }
0x43: {  	_ =	shalt  }
0x44: {  	_ =	shalt  }
0x45: {  	_ =	shalt  }
0x46: {  	_ =	shalt  }
0x47: {  	_ =	shalt  }
0x48: {  	_ =	shalt  }
0x49: {  	_ =	shalt  }
0x4a: {  	_ =	shalt  }
0x4b: {  	_ =	shalt  }
0x4c: {  	_ =	shalt  }
0x4d: {  	_ =	shalt  }
0x4e: {  	_ =	shalt  }
0x4f: {  	_ =	shalt  }
0x50: {  	_ =	shalt  }
0x51: {  	_ =	shalt  }
0x52: {  	_ =	shalt  }
0x53: {  	_ =	shalt  }
0x54: {  	_ =	shalt  }
0x55: {  	_ =	shalt  }
0x56: {  	_ =	shalt  }
0x57: {  	_ =	shalt  }
0x58: {  	_ =	shalt  }
0x59: {  	_ =	shalt  }
0x5a: {  	_ =	shalt  }
0x5b: {  	_ =	shalt  }
0x5c: {  	_ =	shalt  }
0x5d: {  	_ =	shalt  }
0x5e: {  	_ =	shalt  }
0x5f: {  	_ =	shalt  }
0x60: {  	_ =	shalt  }
0x61: {  	_ =	shalt  }
0x62: {  	_ =	shalt  }
0x63: {  	_ =	shalt  }
0x64: {  	_ =	shalt  }
0x65: {  	_ =	shalt  }
0x66: {  	_ =	shalt  }
0x67: {  	_ =	shalt  }
0x68: {  	_ =	shalt  }
0x69: {  	_ =	shalt  }
0x6a: {  	_ =	shalt  }
0x6b: {  	_ =	shalt  }
0x6c: {  	_ =	shalt  }
0x6d: {  	_ =	shalt  }
0x6e: {  	_ =	shalt  }
0x6f: {  	_ =	shalt  }
0x70: {  	_ =	shalt  }
0x71: {  	_ =	shalt  }
0x72: {  	_ =	shalt  }
0x73: {  	_ =	shalt  }
0x74: {  	_ =	shalt  }
0x75: {  	_ =	shalt  }
0x76: {  	_ =	shalt  }
0x77: {  	_ =	shalt  }
0x78: {  	_ =	shalt  }
0x79: {  	_ =	shalt  }
0x7a: {  	_ =	shalt  }
0x7b: {  	_ =	shalt  }
0x7c: {  	_ =	shalt  }
0x7d: {  	_ =	shalt  }
0x7e: {  	_ =	shalt  }
0x7f: {  	_ =	shalt  }
0x80: {  	_ =	shalt  }
0x81: {  	_ =	shalt  }
0x82: {  	_ =	shalt  }
0x83: {  	_ =	shalt  }
0x84: {  	_ =	shalt  }
0x85: {  	_ =	shalt  }
0x86: {  	_ =	shalt  }
0x87: {  	_ =	shalt  }
.Lfunc_end0:
.L_simem_size_0:
called_computation_lowered:
.L_overlay_start_0:
0x88: {  	s2 =	sld [smem:$0x3FD9]  }
0x89: {  	s3 =	sld [smem:$0x3FFE];
	_ =	sdelay $0x1  }
0x8a: {  	s1 =	srdreg.scid  }
0x8b: {  	s0 =	sand.u32 $0x1, s1  }
0x8c: {  	s17 =	sshll.u32 s0, $0xA;
	s2 =	sadd.s32 s3, s2  }
0x8d: {  	s2 =	sadd.s32 s2, s17  }
0x8e: {  	[smem:$0x3FC2] =	sst s2  }
0x8f: {  	_ = 	snop  }
0x90: {  	s2 =	sld [smem:$0x3FD0];
	(tm) =	ssettm $0x1  }
0x91: {  	s18 =	sld [smem:$0x3FFB];
	_ =	sdelay $0x3  }
0x92: {  	_ =	strace s18  }
0x93: {  	s3 =	sld [smem:$0x3FFC];
	_ =	sdelay $0x3  }
0x94: {  	_ =	strace s3  }
0x95: {  	s3 =	sld [smem:$0x3FFD];
	_ =	sdelay $0x3  }
0x96: {  	_ =	strace s3  }
0x97: {  	_ =	strace $0x8FFFFFFF  }
0x98: {  	s19 =	sld [smem:$0x3FDB];
	_ =	sdelay $0x1  }
0x99: {  	s4 =	simm.s32 $_scs_section_size  }
0x9a: {  	s5 =	simm.s32 $_size__tile_overlayer_lowered;
	s6 =	simm.s32 $_tile_overlayer_lowered  }
0x9b: {  	s22 =	simm.s32 $0x1BFF;
	s21 =	sshll.u32 s6, $0x1;
	s3 =	sadd.s32 s4, s19  }
0x9c: {  	s7 =	simm.s32 $0x0;
	s20 =	sshll.u32 s5, $0x1;
	s5 =	sadd.s32 s21, s3  }
0x9d: {  	[timem:s7], [sflag:s22] =	dma.local [hbm:s5], s20  }
0x9e: {  	_ =	swait.ge [sflag:s22], s20  }
0x9f: {  	s4 =	ssub.s32 $0x0, s20;
	[sflag:s22] =	ssyncset.done $0x0  }
0xa0: {  	[sflag:s22] =	ssyncadd.s32 s4;
	_ =	sdelay $0x1  }
0xa1: {  	s23 =	simm.s32 $0x1B8B  }
0xa2: {  	_ =	swait.ge [sflag:s23], $0x1  }
0xa3: {  	[sflag:s23] =	ssyncset.done $0x0  }
0xa4: {  	s25 =	simm.s32 $0x1B8E;
	s24 =	sld [smem:$0x3FFE];
	[sflag:s23] =	ssyncadd.s32 $0xFFFFFFFF  }
0xa5: {  	s26 =	simm.s32 $execute0_lowered;
	[smem:$0x3FD2] =	sst s25  }
0xa6: {  	s5 =	sshll.u32 s26, $0x1;
	_ =	strace $0x80000046;
	[dreg:$0x1] =	wrdreg $0xFFFFFFFF  }
0xa7: {  	s28 =	simm.s32 $_size_execute0_lowered;
	s3 =	sadd.s32 s3, s5;
	[dreg:$0x0] =	wrdreg $0x0  }
0xa8: {  	s5 =	sshll.u32 s28, $0x1;
	[dreg:$0x2] =	wrdreg s3  }
0xa9: {  	[dreg:$0x3] =	wrdreg s5  }
0xaa: {  	[dreg:$0x4] =	wrdreg $0xC0  }
0xab: {  	_ =	task [dreg:s7], $0x5FFFF  }
0xac: {  	[dreg:$0x1] =	wrdreg $0xFFFFFFFF  }
0xad: {  	[dreg:$0x0] =	wrdreg $0x60  }
0xae: {  	[dreg:$0x2] =	wrdreg s24  }
0xaf: {  	[dreg:$0x3] =	wrdreg s2  }
0xb0: {  	[dreg:$0x4] =	wrdreg $0x74000  }
0xb1: {  	[dreg:$0x5] =	wrdreg $0x9  }
0xb2: {  	_ =	task.clear_ibuf [dreg:s7], $0x6FFFF;
	_ =	strace $0x90000046  }
0xb3: {  	s29 =	simm.s32 $0x9;
	_ =	strace $0x80000048  }
0xb4: {  	_ =	swait.ge [sflag:s29], $0x1  }
0xb5: {  	[sflag:s29] =	ssyncadd.s32 $0xFFFFFFFF  }
0xb6: {  	_ =	strace $0x90000048  }
0xb7: {  	_ =	sfence  }
0xb8: {  	s30 =	sld [smem:$0x0];
	_ =	sdelay $0x2  }
0xb9: {  	s31 =	sshll.u32 s1, $0xD;
	s1 =	sshrl.u32 s1, $0x2  }
0xba: {  	s3 =	sand.u32 $0x4000, s31;
	s1 =	sadd.s32 s1, s30  }
0xbb: {  	s0 =	sor.u32 s3, s0;
	s1 =	sshll.u32 s1, $0x11  }
0xbc: {  	s0 =	sor.u32 s1, s0  }
0xbd: {  	s0 =	sadd.s32 $0x8F2B, s0  }
0xbe: {  	[sflag:s0] =	ssyncadd.remote.s32 $0x1  }
0xbf: {  	_ =	sfence.sel $0xFFFF  }
0xc0: {  	[dreg:$0x0] =	wrdreg $0xFFFFFFFF;
	(pc) =	sbr.abs _section_cstart, $3  }
0xc1: {  	[dreg:$0x1] =	wrdreg $0xFFFFFFFF  }
0xc2: {  	_ =	task.clear_ibuf [dreg:s7], $0x2FFFF;
	_ =	strace $0x9FFFFFFF  }
0xc3: {  	(tm) =	ssettm $0x7FFFFFFF  }
tec
execute0_lowered:
.L_overlay_start_1:
0x0: {  	(tag) =	ssettag $0x1  }
0x1: {  	s6 =	rddreg [dreg:$0x0]  }
0x2: {  	s2 =	rddreg [dreg:$0x1]  }
0x3: {  	s0 =	srdreg.scid;
	s3 =	rddreg [dreg:$0x2]  }
0x4: {  	s4 =	simm.s32 $0x0;
	s13 =	simm.s32 $0x40;
	s14 =	simm.s32 $0x80  }
0x5: {  	s15 =	simm.s32 $0x100;
	s5 =	sand.u32 $0x1, s0;
	s0 =	stileid.u32  }
0x6: {  	s16 =	simm.s32 $0x1;
	s17 =	simm.s32 $0x2;
	s8 =	smul.u32 $0x14000, s0  }
0x7: {  	s18 =	simm.s32 $0x3;
	s19 =	simm.s32 $0x0;
	s9 =	smul.u32 $0x140000, s5  }
0x8: {  	[smem:$0x7FF] =	sst s4;
	s1 =	sshll.u32 s5, $0x4;
	s29 =	smul.u32 $0x50000, s0  }
0x9: {  	s5 =	ssub.s32 $0x2, s5;
	s31 =	sshll.u32 s0, $0x6;
	s1 =	sor.u32 s0, s1  }
0xa: {  	s30 =	sshrl.u32 s5, $0x1;
	s7 =	smul.u32 $0xA80, s1;
	s1 =	rddreg [dreg:$0x3]  }
0xb: {  	_ =	strace $0x80000047;
	s10 =	sshrl.u32 s8, $0x3;
	s8 =	sadd.s32 s8, s9  }
0xc: {  	s9 =	sshrl.u32 s29, $0x2;
	s11 =	ssub.s32 s5, s30;
	s10 =	sadd.s32 s10, s6  }
0xd: {  	s8 =	sshrl.u32 s8, $0x3;
	s12 =	sadd.s32 s9, s3;
	s9 =	simm.s32 $0x4  }
0xe: {  	s7 =	sadd.s32 s7, s6;
	s8 =	sadd.s32 s8, s6;
	s6 =	sadd.s32 $0x16E00, s10  }
0xf: {  	s10 =	simm.s32 $0x5400;
	s12 =	sshrl.u32 s12, $0x3;
	s5 =	sadd.s32 $0x1E00, s7  }
0x10: {  	s7 =	sadd.s32 $0x3EE00, s8;
	s8 =	smax.u32 s11, $0x1;
	s11 =	sor.u32 $0x1C04, s31  }
.LBB2_1:
0x11: {  	[tilespmem:s4], [sflag:$0x4] =	stream.linear.gather [hbm4b:s5+s4], $0x5100, $0x38;
	[tilespmem:$0x1B400] =	vst v63  }
0x12: {  	_ =	swait.ge [sflag:s9], $0x5100  }
0x13: {  	[sflag:s9] =	ssyncset.done $0x0  }
0x14: {  	[sflag:s9] =	ssyncadd.s32 $0xFFFFAF00  }
0x15: {  	[tilespmem:s10], [sflag:$0x4] =	stream.linear.gather [hbm4b:s2+s4], $0x2000, $0x38;
	[tilespmem:$0x1B400] =	vst v63  }
0x16: {  	_ =	swait.ge [sflag:s9], $0x2000  }
0x17: {  	[sflag:s9] =	ssyncset.done $0x0  }
0x18: {  	[sflag:s9] =	ssyncadd.s32 $0xFFFFE000  }
0x19: {  	[spmem:s12], [sflag:s11] =	dma.local [hbm:s6], $0x2800  }
0x1a: {  	_ =	swait.ge [sflag:s9], $0x2800  }
0x1b: {  	[sflag:s9] =	ssyncset.done $0x0  }
0x1c: {  	[sflag:s9] =	ssyncadd.s32 $0xFFFFD800  }
0x1d: {  	[bflag:$0x0] =	sbarrier.arrive $0xFFFF  }
0x1e: {  	[spmem:s3] =	stream.indirect.scatter.add.f32 [tilespmem:s10], [sflag:$0x1], $0x80, s4, s13, $0xb8;
	[tilespmem:$0x1B400] =	vst v63  }
0x1f: {  	_ = 	snop  }
0x20: {  	[spmem:s3] =	stream.indirect.scatter.add.f32 [tilespmem:s10], [sflag:$0x2], $0x80, s14, s13, $0xb8;
	[tilespmem:$0x1B400] =	vst v63  }
0x21: {  	_ = 	snop  }
0x22: {  	[spmem:s3] =	stream.indirect.scatter.add.f32 [tilespmem:s10], [sflag:$0x3], $0x80, s15, s13, $0xb8;
	[tilespmem:$0x1B400] =	vst v63  }
0x23: {  	_ =	swait.ge [sflag:s16], $0x2000  }
0x24: {  	[sflag:s16] =	ssyncset.done $0x0  }
0x25: {  	s20 =	simm.s32 $0x180;
	[sflag:s16] =	ssyncadd.s32 $0xFFFFE000  }
0x26: {  	[spmem:s3] =	stream.indirect.scatter.add.f32 [tilespmem:s10], [sflag:$0x1], $0x80, s20, s13, $0xb8;
	[tilespmem:$0x1B400] =	vst v63  }
0x27: {  	_ =	swait.ge [sflag:s17], $0x2000  }
0x28: {  	[sflag:s17] =	ssyncset.done $0x0  }
0x29: {  	s31 =	simm.s32 $0x200;
	[sflag:s17] =	ssyncadd.s32 $0xFFFFE000  }
0x2a: {  	[spmem:s3] =	stream.indirect.scatter.add.f32 [tilespmem:s10], [sflag:$0x2], $0x80, s31, s13, $0xb8;
	[tilespmem:$0x1B400] =	vst v63  }
0x2b: {  	_ =	swait.ge [sflag:s18], $0x2000  }
0x2c: {  	[sflag:s18] =	ssyncset.done $0x0  }
0x2d: {  	s21 =	simm.s32 $0x280;
	s20 =	simm.s32 $0xFFFEC800;
	[sflag:s18] =	ssyncadd.s32 $0xFFFFE000  }
.LBB2_2:
0x2e: {  	[spmem:s3] =	stream.indirect.scatter.add.f32 [tilespmem:s10], [sflag:$0x3], $0x80, s21, s13, $0xb8;
	[tilespmem:$0x1B400] =	vst v63  }
0x2f: {  	s21 =	smov.u32 s20  }
0x30: {  	p0 =	sne.s32 s20, $0xFFFFFA00;
	s20 =	sadd.s32 $0x600, s20;
	_ =	swait.ge [sflag:s16], $0x2000  }
0x31: {  	s21 =	sshra.s32 s21, $0x2;
	[sflag:s16] =	ssyncset.done $0x0  }
0x32: {  	s22 =	sadd.s32 $0x5100, s21;
	[sflag:s16] =	ssyncadd.s32 $0xFFFFE000  }
0x33: {  	[spmem:s3] =	stream.indirect.scatter.add.f32 [tilespmem:s10], [sflag:$0x1], $0x80, s22, s13, $0xb8;
	[tilespmem:$0x1B400] =	vst v63  }
0x34: {  	_ =	swait.ge [sflag:s17], $0x2000  }
0x35: {  	[sflag:s17] =	ssyncset.done $0x0  }
.Ltmp0:
0x36: {  	s22 =	sadd.s32 $0x5180, s21;
	[sflag:s17] =	ssyncadd.s32 $0xFFFFE000;
	(pc) =	sbr.rel @p0 .LBB2_2-.Ltmp0, $4  }
0x37: {  	[spmem:s3] =	stream.indirect.scatter.add.f32 [tilespmem:s10], [sflag:$0x2], $0x80, s22, s13, $0xb8;
	[tilespmem:$0x1B400] =	vst v63  }
0x38: {  	_ =	swait.ge [sflag:s18], $0x2000  }
0x39: {  	[sflag:s18] =	ssyncset.done $0x0  }
0x3a: {  	s21 =	sadd.s32 $0x5200, s21;
	[sflag:s18] =	ssyncadd.s32 $0xFFFFE000  }
0x3b: {  	[spmem:s3] =	stream.indirect.scatter.add.f32 [tilespmem:s10], [sflag:$0x3], $0x80, s21, s13, $0xb8;
	[tilespmem:$0x1B400] =	vst v63  }
0x3c: {  	_ =	swait.ge [sflag:s16], $0x2000  }
0x3d: {  	[sflag:s16] =	ssyncset.done $0x0  }
0x3e: {  	[sflag:s16] =	ssyncadd.s32 $0xFFFFE000  }
0x3f: {  	_ =	swait.ge [sflag:s17], $0x2000  }
0x40: {  	[sflag:s17] =	ssyncset.done $0x0  }
0x41: {  	[sflag:s17] =	ssyncadd.s32 $0xFFFFE000  }
0x42: {  	_ =	swait.ge [sflag:s18], $0x2000  }
0x43: {  	s19 =	sadd.s32 $0x1, s19;
	[sflag:s18] =	ssyncset.done $0x0  }
0x44: {  	p0 =	sne.s32 s19, s8;
	[sflag:s18] =	ssyncadd.s32 $0xFFFFE000  }
.Ltmp1:
0x45: {  	[bflag:$0x0] =	sbarrier.arrive $0xFFFF;
	(pc) =	sbr.rel @p0 .LBB2_1-.Ltmp1, $4  }
0x46: {  	[hbm:s7], [sflag:s11] =	dma.local [spmem:s12], $0x2800  }
0x47: {  	_ =	swait.ge [sflag:s9], $0x2800  }
0x48: {  	[sflag:s9] =	ssyncset.done $0x0  }
0x49: {  	[sflag:s9] =	ssyncadd.s32 $0xFFFFD800  }
0x4a: {  	_ =	sfence.sel $0x180000  }
0x4b: {  	[bflag:$0x0] =	sbarrier.arrive $0xFFFF  }
0x4c: {  	p0 =	sne.s32 s0, $0x0;
	_ =	strace $0x90000047  }
0x4d: {  	s0 =	sadd.s32 @!p0 $0x100000, s1;
	[bflag:$0x2] =	sbarrier.arrive $0xFFFF  }
0x4e: {  	[sflag:s0] =	ssyncadd.tile.s32 @!p0 $0x1;
	_ =	shalt  }
.Lfunc_end2:
_tile_overlayer_lowered:
.L_overlay_start_2:
0x4f: {  	(tag) =	ssettag $0x2  }
0x50: {  	s0 =	rddreg [dreg:$0x0];
	s2 =	stileid.u32  }
0x51: {  	s1 =	rddreg [dreg:$0x1];
	p0 =	sne.s32 s2, $0x0  }
0x52: {  	s3 =	rddreg [dreg:$0x2];
	[bflag:$0x3] =	sbarrier.arrive $0xFFFF;
	s2 =	simm.s32 @!p0 $0x1C04  }
0x53: {  	[timem:s3], [sflag:s2] =	dma.local @!p0 [hbm:s0], s1  }
0x54: {  	s0 =	simm.s32 @!p0 $0x4  }
0x55: {  	_ =	swait.ge @!p0 [sflag:s0], s1  }
0x56: {  	s1 =	ssub.s32 @!p0 $0x0, s1;
	[sflag:s0] =	ssyncset.done @!p0 $0x0  }
0x57: {  	[sflag:s0] =	ssyncadd.s32 @!p0 s1  }
0x58: {  	[bflag:$0x3] =	sbarrier.arrive $0xFFFF  }
0x59: {  	_ =	shalt  }

</sc_bundles>
